<compile_context>
chip_gen: v7x
topology: tpu7x:2x2x1
jax: 0.10.2.dev20260603
libtpu: 0.0.44.dev20260713+nightly
codegen_flags: <defaults>
</compile_context>

<pallas_src>
import functools

import jax
import jax.numpy as jnp
from jax import lax
from jax.experimental import pallas as pl
from jax.experimental.pallas import tpu as pltpu
from jax.experimental.pallas import tpu_sc as plsc

_NC = 2
_NS = 16
_NW = _NC * _NS
_LANES = 16
_G = 128


def _mlp_table(h2, w1, b1, w2p, b2p, vt):
    C, V = h2.shape
    H = w1.shape[0]
    OP = w2p.shape[0]

    def body(h_ref, w1_ref, b1_ref, w2_ref, b2_ref, out_ref):
        blk = h_ref[...].astype(jnp.bfloat16)
        x1 = lax.dot_general(
            blk, w1_ref[...].astype(jnp.bfloat16), (((0,), (1,)), ((), ())),
            preferred_element_type=jnp.float32)
        x1 = jnp.maximum(x1 + b1_ref[...], 0.0).astype(jnp.bfloat16)
        x2 = lax.dot_general(
            x1, w2_ref[...].astype(jnp.bfloat16), (((1,), (1,)), ((), ())),
            preferred_element_type=jnp.float32)
        out_ref[...] = x2 + b2_ref[...]

    return pl.pallas_call(
        body,
        grid=(V // vt,),
        in_specs=[
            pl.BlockSpec((C, vt), lambda i: (0, i)),
            pl.BlockSpec((H, C), lambda i: (0, 0)),
            pl.BlockSpec((1, H), lambda i: (0, 0)),
            pl.BlockSpec((OP, H), lambda i: (0, 0)),
            pl.BlockSpec((1, OP), lambda i: (0, 0)),
        ],
        out_specs=pl.BlockSpec((vt, OP), lambda i: (i, 0)),
        out_shape=jax.ShapeDtypeStruct((V, OP), jnp.float32),
    )(h2, w1, b1, w2p, b2p)


def _gather_rows(table, xs, ys, zs, s0, s1, n_out):
    V, OP = table.shape
    P = xs.shape[0]
    npw = P // _NW
    nchunk = npw // _G
    mesh = plsc.VectorSubcoreMesh(core_axis_name="c", subcore_axis_name="s")

    @functools.partial(
        pl.kernel,
        mesh=mesh,
        compiler_params=pltpu.CompilerParams(use_tc_tiling_on_sc=False),
        out_type=jax.ShapeDtypeStruct((P, n_out), jnp.float32),
        scratch_types=[
            pltpu.VMEM((npw,), jnp.float32),
            pltpu.VMEM((npw,), jnp.float32),
            pltpu.VMEM((npw,), jnp.float32),
            pltpu.VMEM((npw,), jnp.int32),
            pltpu.VMEM((4, _G, OP), jnp.float32),
            pltpu.SemaphoreType.DMA,
            pltpu.SemaphoreType.DMA,
            pltpu.SemaphoreType.DMA,
            pltpu.SemaphoreType.DMA,
        ],
    )
    def body(table_hbm, xs_hbm, ys_hbm, zs_hbm, out_hbm,
             x_v, y_v, z_v, idx_v, row_v, sem0, sem1, sem2, sem3):
        wid = lax.axis_index("s") * _NC + lax.axis_index("c")
        base = wid * npw
        pltpu.sync_copy(xs_hbm.at[pl.ds(base, npw)], x_v)
        pltpu.sync_copy(ys_hbm.at[pl.ds(base, npw)], y_v)
        pltpu.sync_copy(zs_hbm.at[pl.ds(base, npw)], z_v)

        def idx_body(i, carry):
            sl = pl.ds(i * _LANES, _LANES)
            ix = x_v[sl].astype(jnp.int32)
            iy = y_v[sl].astype(jnp.int32)
            iz = z_v[sl].astype(jnp.int32)
            idx_v[sl] = ix * s0 + iy * s1 + iz
            return carry

        lax.fori_loop(0, npw // _LANES, idx_body, 0)

        sems = (sem0, sem1, sem2, sem3)
        nbuf = 4

        def start_gather(j, b):
            pltpu.async_copy(
                table_hbm.at[idx_v.at[pl.ds(j * _G, _G)]], row_v.at[b],
                sems[b])

        def drain_write(j, b):
            pltpu.make_async_copy(
                table_hbm.at[idx_v.at[pl.ds(j * _G, _G)]], row_v.at[b],
                sems[b]).wait()
            pltpu.sync_copy(
                row_v.at[b, :, pl.ds(0, n_out)],
                out_hbm.at[pl.ds(base + j * _G, _G)])

        for b in range(nbuf):
            start_gather(b, b)

        def gather_body(jj, carry):
            j0 = jj * nbuf
            for b in range(nbuf):
                drain_write(j0 + b, b)

                @pl.when(j0 + b + nbuf < nchunk)
                def _():
                    start_gather(j0 + b + nbuf, b)

            return carry

        lax.fori_loop(0, nchunk // nbuf, gather_body, 0)

    return body(table, xs, ys, zs)


def kernel(h, points, W1, b1, W2, b2):
    C = h.shape[1]
    d0, d1, d2 = h.shape[2], h.shape[3], h.shape[4]
    V = d0 * d1 * d2
    P = points.shape[1]
    H = W1.shape[0]
    OUT = W2.shape[0]
    OP = 128

    h2 = h.reshape(C, V)
    pts = points.reshape(P, 3).T
    xs, ys, zs = pts[0], pts[1], pts[2]

    w2p = jnp.zeros((OP, H), W2.dtype).at[:OUT, :].set(W2)
    b2p = jnp.zeros((OP,), b2.dtype).at[:OUT].set(b2)

    table = _mlp_table(h2, W1, b1.reshape(1, H), w2p, b2p.reshape(1, OP), 16384)
    n_out = ((OUT + 7) // 8) * 8
    out = _gather_rows(table, xs, ys, zs, d1 * d2, d2, n_out)
    return out[:, :OUT]

# --- scband reference (transcript-rebuilt; emitter-appended) ---
"""Pipeline reference for scband-sparse-seg-head-71305047048340 (READ-ONLY COPY).

The authoritative reference and input builder live on the scoring server;
editing this copy changes nothing except your own understanding.
"""

import jax, jax.numpy as jnp
import numpy as np

B = 1
C = 128
D = 64
P = 131072
H_CH = 64
OUT_CH = 21


def setup_inputs(seed: int = 0) -> dict:
    key = jax.random.key(seed)
    k1, k2, k3, k4, k5, k6 = jax.random.split(key, 6)
    h = jax.random.normal(k1, (B, C, D, D, D), dtype=jnp.float32)
    # points are float coordinates in [0, D); module applies floor() to index voxels
    points = jax.random.randint(k2, (B, P, 3), 0, D).astype(jnp.float32)
    # segmentation_head = Linear(C, H_CH) -> ReLU -> Linear(H_CH, OUT_CH)
    # torch Linear weights are [out_features, in_features]
    W1 = jax.random.normal(k3, (H_CH, C), dtype=jnp.float32) * (1.0 / np.sqrt(C))
    b1 = jax.random.uniform(k4, (H_CH,), dtype=jnp.float32, minval=-0.05, maxval=0.05)
    W2 = jax.random.normal(k5, (OUT_CH, H_CH), dtype=jnp.float32) * (1.0 / np.sqrt(H_CH))
    b2 = jax.random.uniform(k6, (OUT_CH,), dtype=jnp.float32, minval=-0.05, maxval=0.05)
    return {"h": h, "points": points, "W1": W1, "b1": b1, "W2": W2, "b2": b2}


def reference(h, points, W1, b1, W2, b2):
    b, c = h.shape[0], h.shape[1]
    volume_shape = h.shape[2:]
    v = int(np.prod(volume_shape))
    d = len(volume_shape)
    # ind_kernel = [prod(volume_shape[i+1:]) for i in range(d)] = [D*D, D, 1]
    ind_kernel = jnp.array([np.prod(volume_shape[i + 1:]) for i in range(d)], dtype=jnp.float32)
    h2 = h.reshape(b, c, v)
    # flattened voxel index per point
    ind = jnp.matmul(jnp.floor(points), ind_kernel)  # [b, P]
    ind = ind.astype(jnp.int32)
    ind = jnp.squeeze(ind, axis=0)  # [P] (b == 1)
    # replicate across channels: [b, c, P]
    ind_full = jnp.broadcast_to(ind[None, None, :], (b, c, points.shape[1]))
    # gather: h.gather(dim=2, index=ind_full) then transpose(2, 1)
    h_p = jnp.take_along_axis(h2, ind_full, axis=2)  # [b, c, P]
    h_p = jnp.transpose(h_p, (0, 2, 1))  # [b, P, c]
    # MLP head
    x = jnp.matmul(h_p, W1.T) + b1
    x = jnp.maximum(x, 0.0)
    seg = jnp.matmul(x, W2.T) + b2  # [b, P, OUT_CH]
    return seg.reshape(-1, W2.shape[0])

if __name__ == "__main__":
    import jax
    _d = setup_inputs()
    print(jax.jit(kernel)(*tuple(_d.values())))

</pallas_src>

<mosaic_0001>
#map = affine_map<(d0, d1) -> (0, 0)>
#map1 = affine_map<(d0, d1) -> (0)>
module attributes {stable_mosaic.version = 14 : i64} {
  func.func @body(%arg0: i32, %arg1: i32, %arg2: memref<262144x128xf32, #tpu.memory_space<hbm>>, %arg3: memref<131072xf32, #tpu.memory_space<hbm>>, %arg4: memref<131072xf32, #tpu.memory_space<hbm>>, %arg5: memref<131072xf32, #tpu.memory_space<hbm>>, %arg6: memref<131072x24xf32, #tpu.memory_space<hbm>>, %arg7: memref<4096xf32, #tpu.memory_space<vmem>>, %arg8: memref<4096xf32, #tpu.memory_space<vmem>>, %arg9: memref<4096xf32, #tpu.memory_space<vmem>>, %arg10: memref<4096xi32, #tpu.memory_space<vmem>>, %arg11: memref<4x128x128xf32, #tpu.memory_space<vmem>>, %arg12: memref<!tpu.dma_semaphore, #tpu.memory_space<semaphore_mem>>, %arg13: memref<!tpu.dma_semaphore, #tpu.memory_space<semaphore_mem>>, %arg14: memref<!tpu.dma_semaphore, #tpu.memory_space<semaphore_mem>>, %arg15: memref<!tpu.dma_semaphore, #tpu.memory_space<semaphore_mem>>) attributes {dimension_semantics = [#tpu.dimension_semantics<core_parallel>, #tpu.dimension_semantics<subcore_parallel>], iteration_bounds = array<i64: 2, 16>, scalar_prefetch = 0 : i64, scratch_operands = 9 : i64, tpu.core_type = #tpu.core_type<sc_vector_subcore>, window_params = [{transform_indices = #map}, {transform_indices = #map1}, {transform_indices = #map1}, {transform_indices = #map1}, {transform_indices = #map}]} {
    %mul3A = arith.constant 2 : i32
    %mul3A_0 = arith.muli %arg1, %mul3A : i32
    %add3A = arith.addi %mul3A_0, %arg0 : i32
    %mul3A_1 = arith.constant 4096 : i32
    %mul3A_2 = arith.muli %add3A, %mul3A_1 : i32
    "tpu.region"() ({
      %run_scoped3A = tpu.sem_alloc : memref<!tpu.dma_semaphore, #tpu.memory_space<semaphore_mem>>
      %dma_start3A_53 = tpu.memref_slice %arg3[%mul3A_2] : memref<131072xf32, #tpu.memory_space<hbm>> -> memref<4096xf32, #tpu.memory_space<hbm>>
      %dma_start3A_54 = tpu.memref_slice %arg3[%mul3A_2] : memref<131072xf32, #tpu.memory_space<hbm>> -> memref<4096xf32, #tpu.memory_space<hbm>>
      tpu.enqueue_dma source(%dma_start3A_54 : memref<4096xf32, #tpu.memory_space<hbm>>) target(%arg7 : memref<4096xf32, #tpu.memory_space<vmem>>) target_semaphore(%run_scoped3A : memref<!tpu.dma_semaphore, #tpu.memory_space<semaphore_mem>>)
      %dma_wait3A = tpu.memref_slice %arg3[%mul3A_2] : memref<131072xf32, #tpu.memory_space<hbm>> -> memref<4096xf32, #tpu.memory_space<hbm>>
      %dma_wait3A_55 = tpu.memref_slice %arg3[%mul3A_2] : memref<131072xf32, #tpu.memory_space<hbm>> -> memref<4096xf32, #tpu.memory_space<hbm>>
      tpu.wait_dma2 semaphore(%run_scoped3A : memref<!tpu.dma_semaphore, #tpu.memory_space<semaphore_mem>>) src(%dma_wait3A_55 : memref<4096xf32, #tpu.memory_space<hbm>>) dst(%arg7 : memref<4096xf32, #tpu.memory_space<vmem>>)
      tpu.yield
    }) : () -> ()
    "tpu.region"() ({
      %run_scoped3A = tpu.sem_alloc : memref<!tpu.dma_semaphore, #tpu.memory_space<semaphore_mem>>
      %dma_start3A_53 = tpu.memref_slice %arg4[%mul3A_2] : memref<131072xf32, #tpu.memory_space<hbm>> -> memref<4096xf32, #tpu.memory_space<hbm>>
      %dma_start3A_54 = tpu.memref_slice %arg4[%mul3A_2] : memref<131072xf32, #tpu.memory_space<hbm>> -> memref<4096xf32, #tpu.memory_space<hbm>>
      tpu.enqueue_dma source(%dma_start3A_54 : memref<4096xf32, #tpu.memory_space<hbm>>) target(%arg8 : memref<4096xf32, #tpu.memory_space<vmem>>) target_semaphore(%run_scoped3A : memref<!tpu.dma_semaphore, #tpu.memory_space<semaphore_mem>>)
      %dma_wait3A = tpu.memref_slice %arg4[%mul3A_2] : memref<131072xf32, #tpu.memory_space<hbm>> -> memref<4096xf32, #tpu.memory_space<hbm>>
      %dma_wait3A_55 = tpu.memref_slice %arg4[%mul3A_2] : memref<131072xf32, #tpu.memory_space<hbm>> -> memref<4096xf32, #tpu.memory_space<hbm>>
      tpu.wait_dma2 semaphore(%run_scoped3A : memref<!tpu.dma_semaphore, #tpu.memory_space<semaphore_mem>>) src(%dma_wait3A_55 : memref<4096xf32, #tpu.memory_space<hbm>>) dst(%arg8 : memref<4096xf32, #tpu.memory_space<vmem>>)
      tpu.yield
    }) : () -> ()
    "tpu.region"() ({
      %run_scoped3A = tpu.sem_alloc : memref<!tpu.dma_semaphore, #tpu.memory_space<semaphore_mem>>
      %dma_start3A_53 = tpu.memref_slice %arg5[%mul3A_2] : memref<131072xf32, #tpu.memory_space<hbm>> -> memref<4096xf32, #tpu.memory_space<hbm>>
      %dma_start3A_54 = tpu.memref_slice %arg5[%mul3A_2] : memref<131072xf32, #tpu.memory_space<hbm>> -> memref<4096xf32, #tpu.memory_space<hbm>>
      tpu.enqueue_dma source(%dma_start3A_54 : memref<4096xf32, #tpu.memory_space<hbm>>) target(%arg9 : memref<4096xf32, #tpu.memory_space<vmem>>) target_semaphore(%run_scoped3A : memref<!tpu.dma_semaphore, #tpu.memory_space<semaphore_mem>>)
      %dma_wait3A = tpu.memref_slice %arg5[%mul3A_2] : memref<131072xf32, #tpu.memory_space<hbm>> -> memref<4096xf32, #tpu.memory_space<hbm>>
      %dma_wait3A_55 = tpu.memref_slice %arg5[%mul3A_2] : memref<131072xf32, #tpu.memory_space<hbm>> -> memref<4096xf32, #tpu.memory_space<hbm>>
      tpu.wait_dma2 semaphore(%run_scoped3A : memref<!tpu.dma_semaphore, #tpu.memory_space<semaphore_mem>>) src(%dma_wait3A_55 : memref<4096xf32, #tpu.memory_space<hbm>>) dst(%arg9 : memref<4096xf32, #tpu.memory_space<vmem>>)
      tpu.yield
    }) : () -> ()
    %scan3A = arith.constant 0 : i32
    %scan3A_3 = arith.constant 0 : i32
    %scan3A_4 = arith.constant 256 : i32
    %scan3A_5 = arith.addi %scan3A_3, %scan3A_4 : i32
    %scan3A_6 = arith.constant 1 : i32
    scf.for %scan3A_53 = %scan3A_3 to %scan3A_5 step %scan3A_6  : i32 {
      %mul3A_54 = arith.constant 16 : i32
      %mul3A_55 = arith.muli %scan3A_53, %mul3A_54 : i32
      %get3A = arith.index_cast %mul3A_55 : i32 to index
      %get3A_56 = tpu.vector_load %arg7[%get3A] {strides = array<i32>} : memref<4096xf32, #tpu.memory_space<vmem>>, vector<16xf32>,
      %get3A_57 = vector.shape_cast %get3A_56 : vector<16xf32> to vector<16xf32>
      %convert_element_type3A = arith.fptosi %get3A_57 : vector<16xf32> to vector<16xi32>
      %get3A_58 = arith.index_cast %mul3A_55 : i32 to index
      %get3A_59 = tpu.vector_load %arg8[%get3A_58] {strides = array<i32>} : memref<4096xf32, #tpu.memory_space<vmem>>, vector<16xf32>,
      %get3A_60 = vector.shape_cast %get3A_59 : vector<16xf32> to vector<16xf32>
      %convert_element_type3A_61 = arith.fptosi %get3A_60 : vector<16xf32> to vector<16xi32>
      %get3A_62 = arith.index_cast %mul3A_55 : i32 to index
      %get3A_63 = tpu.vector_load %arg9[%get3A_62] {strides = array<i32>} : memref<4096xf32, #tpu.memory_space<vmem>>, vector<16xf32>,
      %get3A_64 = vector.shape_cast %get3A_63 : vector<16xf32> to vector<16xf32>
      %convert_element_type3A_65 = arith.fptosi %get3A_64 : vector<16xf32> to vector<16xi32>
      %mul3A_66 = arith.constant 4096 : i32
      %mul3A_67 = vector.broadcast %mul3A_66 : i32 to vector<16xi32>
      %mul3A_68 = arith.muli %convert_element_type3A, %mul3A_67 : vector<16xi32>
      %mul3A_69 = arith.constant 64 : i32
      %mul3A_70 = vector.broadcast %mul3A_69 : i32 to vector<16xi32>
      %mul3A_71 = arith.muli %convert_element_type3A_61, %mul3A_70 : vector<16xi32>
      %add3A_72 = arith.addi %mul3A_68, %mul3A_71 : vector<16xi32>
      %add3A_73 = arith.addi %add3A_72, %convert_element_type3A_65 : vector<16xi32>
      %swap3A = arith.index_cast %mul3A_55 : i32 to index
      %swap3A_74 = tpu.vector_load %arg10[%swap3A] {strides = array<i32>} : memref<4096xi32, #tpu.memory_space<vmem>>, vector<16xi32>,
      %swap3A_75 = vector.shape_cast %swap3A_74 : vector<16xi32> to vector<16xi32>
      %swap3A_76 = vector.shape_cast %add3A_73 : vector<16xi32> to vector<16xi32>
      tpu.vector_store %arg10[%swap3A], %swap3A_76 {strides = array<i32>} : memref<4096xi32, #tpu.memory_space<vmem>>, vector<16xi32>,
    }
    %scan3A_7 = arith.constant 256 : i32
    %dma_start3A = arith.constant 0 : i32
    %dma_start3A_8 = arith.constant 0 : i32
    %dma_start3A_9 = arith.constant 0 : i32
    %dma_start3A_10 = tpu.memref_slice %arg11[%dma_start3A, %dma_start3A_8, %dma_start3A_9] : memref<4x128x128xf32, #tpu.memory_space<vmem>> -> memref<1x128x128xf32, #tpu.memory_space<vmem>>
    %dma_start3A_11 = tpu.memref_squeeze %dma_start3A_10 : memref<1x128x128xf32, #tpu.memory_space<vmem>> -> memref<128x128xf32, #tpu.memory_space<vmem>>
    %dma_start3A_12 = arith.constant 0 : i32
    %dma_start3A_13 = tpu.memref_slice %arg10[%dma_start3A_12] : memref<4096xi32, #tpu.memory_space<vmem>> -> memref<128xi32, #tpu.memory_space<vmem>>
    %dma_start3A_14 = arith.constant 0 : i32
    %dma_start3A_15 = arith.constant 0 : i32
    %dma_start3A_16 = tpu.memref_slice %arg2[%dma_start3A_14, %dma_start3A_15] : memref<262144x128xf32, #tpu.memory_space<hbm>> -> memref<262144x128xf32, #tpu.memory_space<hbm>>
    tpu.enqueue_indirect_dma source(%dma_start3A_16 : memref<262144x128xf32, #tpu.memory_space<hbm>>) target(%dma_start3A_11 : memref<128x128xf32, #tpu.memory_space<vmem>>) offsets(%dma_start3A_13 : memref<128xi32, #tpu.memory_space<vmem>>) semaphore(%arg12 : memref<!tpu.dma_semaphore, #tpu.memory_space<semaphore_mem>>)
    %dma_start3A_17 = arith.constant 1 : i32
    %dma_start3A_18 = arith.constant 0 : i32
    %dma_start3A_19 = arith.constant 0 : i32
    %dma_start3A_20 = tpu.memref_slice %arg11[%dma_start3A_17, %dma_start3A_18, %dma_start3A_19] : memref<4x128x128xf32, #tpu.memory_space<vmem>> -> memref<1x128x128xf32, #tpu.memory_space<vmem>>
    %dma_start3A_21 = tpu.memref_squeeze %dma_start3A_20 : memref<1x128x128xf32, #tpu.memory_space<vmem>> -> memref<128x128xf32, #tpu.memory_space<vmem>>
    %dma_start3A_22 = arith.constant 128 : i32
    %dma_start3A_23 = tpu.memref_slice %arg10[%dma_start3A_22] : memref<4096xi32, #tpu.memory_space<vmem>> -> memref<128xi32, #tpu.memory_space<vmem>>
    %dma_start3A_24 = arith.constant 0 : i32
    %dma_start3A_25 = arith.constant 0 : i32
    %dma_start3A_26 = tpu.memref_slice %arg2[%dma_start3A_24, %dma_start3A_25] : memref<262144x128xf32, #tpu.memory_space<hbm>> -> memref<262144x128xf32, #tpu.memory_space<hbm>>
    tpu.enqueue_indirect_dma source(%dma_start3A_26 : memref<262144x128xf32, #tpu.memory_space<hbm>>) target(%dma_start3A_21 : memref<128x128xf32, #tpu.memory_space<vmem>>) offsets(%dma_start3A_23 : memref<128xi32, #tpu.memory_space<vmem>>) semaphore(%arg13 : memref<!tpu.dma_semaphore, #tpu.memory_space<semaphore_mem>>)
    %dma_start3A_27 = arith.constant 2 : i32
    %dma_start3A_28 = arith.constant 0 : i32
    %dma_start3A_29 = arith.constant 0 : i32
    %dma_start3A_30 = tpu.memref_slice %arg11[%dma_start3A_27, %dma_start3A_28, %dma_start3A_29] : memref<4x128x128xf32, #tpu.memory_space<vmem>> -> memref<1x128x128xf32, #tpu.memory_space<vmem>>
    %dma_start3A_31 = tpu.memref_squeeze %dma_start3A_30 : memref<1x128x128xf32, #tpu.memory_space<vmem>> -> memref<128x128xf32, #tpu.memory_space<vmem>>
    %dma_start3A_32 = arith.constant 256 : i32
    %dma_start3A_33 = tpu.memref_slice %arg10[%dma_start3A_32] : memref<4096xi32, #tpu.memory_space<vmem>> -> memref<128xi32, #tpu.memory_space<vmem>>
    %dma_start3A_34 = arith.constant 0 : i32
    %dma_start3A_35 = arith.constant 0 : i32
    %dma_start3A_36 = tpu.memref_slice %arg2[%dma_start3A_34, %dma_start3A_35] : memref<262144x128xf32, #tpu.memory_space<hbm>> -> memref<262144x128xf32, #tpu.memory_space<hbm>>
    tpu.enqueue_indirect_dma source(%dma_start3A_36 : memref<262144x128xf32, #tpu.memory_space<hbm>>) target(%dma_start3A_31 : memref<128x128xf32, #tpu.memory_space<vmem>>) offsets(%dma_start3A_33 : memref<128xi32, #tpu.memory_space<vmem>>) semaphore(%arg14 : memref<!tpu.dma_semaphore, #tpu.memory_space<semaphore_mem>>)
    %dma_start3A_37 = arith.constant 3 : i32
    %dma_start3A_38 = arith.constant 0 : i32
    %dma_start3A_39 = arith.constant 0 : i32
    %dma_start3A_40 = tpu.memref_slice %arg11[%dma_start3A_37, %dma_start3A_38, %dma_start3A_39] : memref<4x128x128xf32, #tpu.memory_space<vmem>> -> memref<1x128x128xf32, #tpu.memory_space<vmem>>
    %dma_start3A_41 = tpu.memref_squeeze %dma_start3A_40 : memref<1x128x128xf32, #tpu.memory_space<vmem>> -> memref<128x128xf32, #tpu.memory_space<vmem>>
    %dma_start3A_42 = arith.constant 384 : i32
    %dma_start3A_43 = tpu.memref_slice %arg10[%dma_start3A_42] : memref<4096xi32, #tpu.memory_space<vmem>> -> memref<128xi32, #tpu.memory_space<vmem>>
    %dma_start3A_44 = arith.constant 0 : i32
    %dma_start3A_45 = arith.constant 0 : i32
    %dma_start3A_46 = tpu.memref_slice %arg2[%dma_start3A_44, %dma_start3A_45] : memref<262144x128xf32, #tpu.memory_space<hbm>> -> memref<262144x128xf32, #tpu.memory_space<hbm>>
    tpu.enqueue_indirect_dma source(%dma_start3A_46 : memref<262144x128xf32, #tpu.memory_space<hbm>>) target(%dma_start3A_41 : memref<128x128xf32, #tpu.memory_space<vmem>>) offsets(%dma_start3A_43 : memref<128xi32, #tpu.memory_space<vmem>>) semaphore(%arg15 : memref<!tpu.dma_semaphore, #tpu.memory_space<semaphore_mem>>)
    %scan3A_47 = arith.constant 0 : i32
    %scan3A_48 = arith.constant 0 : i32
    %scan3A_49 = arith.constant 8 : i32
    %scan3A_50 = arith.addi %scan3A_48, %scan3A_49 : i32
    %scan3A_51 = arith.constant 1 : i32
    scf.for %scan3A_53 = %scan3A_48 to %scan3A_50 step %scan3A_51  : i32 {
      %mul3A_54 = arith.constant 4 : i32
      %mul3A_55 = arith.muli %scan3A_53, %mul3A_54 : i32
      %add3A_56 = arith.constant 0 : i32
      %add3A_57 = arith.addi %mul3A_55, %add3A_56 : i32
      %mul3A_58 = arith.constant 128 : i32
      %mul3A_59 = arith.muli %add3A_57, %mul3A_58 : i32
      %dma_wait3A = arith.constant 0 : i32
      %dma_wait3A_60 = arith.constant 0 : i32
      %dma_wait3A_61 = arith.constant 0 : i32
      %dma_wait3A_62 = tpu.memref_slice %arg11[%dma_wait3A, %dma_wait3A_60, %dma_wait3A_61] : memref<4x128x128xf32, #tpu.memory_space<vmem>> -> memref<1x128x128xf32, #tpu.memory_space<vmem>>
      %dma_wait3A_63 = tpu.memref_squeeze %dma_wait3A_62 : memref<1x128x128xf32, #tpu.memory_space<vmem>> -> memref<128x128xf32, #tpu.memory_space<vmem>>
      %dma_wait3A_64 = tpu.memref_slice %arg10[%mul3A_59] : memref<4096xi32, #tpu.memory_space<vmem>> -> memref<128xi32, #tpu.memory_space<vmem>>
      %dma_wait3A_65 = arith.constant 0 : i32
      %dma_wait3A_66 = arith.constant 0 : i32
      %dma_wait3A_67 = tpu.memref_slice %arg2[%dma_wait3A_65, %dma_wait3A_66] : memref<262144x128xf32, #tpu.memory_space<hbm>> -> memref<262144x128xf32, #tpu.memory_space<hbm>>
      tpu.wait_indirect_dma semaphore(%arg12 : memref<!tpu.dma_semaphore, #tpu.memory_space<semaphore_mem>>) src(%dma_wait3A_67 : memref<262144x128xf32, #tpu.memory_space<hbm>>) dst(%dma_wait3A_63 : memref<128x128xf32, #tpu.memory_space<vmem>>)
      %mul3A_68 = arith.constant 128 : i32
      %mul3A_69 = arith.muli %add3A_57, %mul3A_68 : i32
      %add3A_70 = arith.addi %mul3A_2, %mul3A_69 : i32
      %run_scoped3A = arith.constant 0 : i32
      "tpu.region"() ({
        %run_scoped3A_155 = tpu.sem_alloc : memref<!tpu.dma_semaphore, #tpu.memory_space<semaphore_mem>>
        %dma_start3A_156 = arith.constant 0 : i32
        %dma_start3A_157 = arith.constant 0 : i32
        %dma_start3A_158 = tpu.memref_slice %arg11[%run_scoped3A, %dma_start3A_156, %dma_start3A_157] : memref<4x128x128xf32, #tpu.memory_space<vmem>> -> memref<1x128x24xf32, #tpu.memory_space<vmem>>
        %dma_start3A_159 = tpu.memref_squeeze %dma_start3A_158 : memref<1x128x24xf32, #tpu.memory_space<vmem>> -> memref<128x24xf32, #tpu.memory_space<vmem>>
        %dma_start3A_160 = arith.constant 0 : i32
        %dma_start3A_161 = tpu.memref_slice %arg6[%add3A_70, %dma_start3A_160] : memref<131072x24xf32, #tpu.memory_space<hbm>> -> memref<128x24xf32, #tpu.memory_space<hbm>>
        %dma_start3A_162 = arith.constant 0 : i32
        %dma_start3A_163 = tpu.memref_slice %arg6[%add3A_70, %dma_start3A_162] : memref<131072x24xf32, #tpu.memory_space<hbm>> -> memref<128x24xf32, #tpu.memory_space<hbm>>
        %dma_start3A_164 = arith.constant 0 : i32
        %dma_start3A_165 = arith.constant 0 : i32
        %dma_start3A_166 = tpu.memref_slice %arg11[%run_scoped3A, %dma_start3A_164, %dma_start3A_165] : memref<4x128x128xf32, #tpu.memory_space<vmem>> -> memref<1x128x24xf32, #tpu.memory_space<vmem>>
        %dma_start3A_167 = tpu.memref_squeeze %dma_start3A_166 : memref<1x128x24xf32, #tpu.memory_space<vmem>> -> memref<128x24xf32, #tpu.memory_space<vmem>>
        tpu.enqueue_dma source(%dma_start3A_167 : memref<128x24xf32, #tpu.memory_space<vmem>>) target(%dma_start3A_163 : memref<128x24xf32, #tpu.memory_space<hbm>>) target_semaphore(%run_scoped3A_155 : memref<!tpu.dma_semaphore, #tpu.memory_space<semaphore_mem>>)
        %dma_wait3A_168 = arith.constant 0 : i32
        %dma_wait3A_169 = arith.constant 0 : i32
        %dma_wait3A_170 = tpu.memref_slice %arg11[%run_scoped3A, %dma_wait3A_168, %dma_wait3A_169] : memref<4x128x128xf32, #tpu.memory_space<vmem>> -> memref<1x128x24xf32, #tpu.memory_space<vmem>>
        %dma_wait3A_171 = tpu.memref_squeeze %dma_wait3A_170 : memref<1x128x24xf32, #tpu.memory_space<vmem>> -> memref<128x24xf32, #tpu.memory_space<vmem>>
        %dma_wait3A_172 = arith.constant 0 : i32
        %dma_wait3A_173 = tpu.memref_slice %arg6[%add3A_70, %dma_wait3A_172] : memref<131072x24xf32, #tpu.memory_space<hbm>> -> memref<128x24xf32, #tpu.memory_space<hbm>>
        %dma_wait3A_174 = arith.constant 0 : i32
        %dma_wait3A_175 = tpu.memref_slice %arg6[%add3A_70, %dma_wait3A_174] : memref<131072x24xf32, #tpu.memory_space<hbm>> -> memref<128x24xf32, #tpu.memory_space<hbm>>
        %dma_wait3A_176 = arith.constant 0 : i32
        %dma_wait3A_177 = arith.constant 0 : i32
        %dma_wait3A_178 = tpu.memref_slice %arg11[%run_scoped3A, %dma_wait3A_176, %dma_wait3A_177] : memref<4x128x128xf32, #tpu.memory_space<vmem>> -> memref<1x128x24xf32, #tpu.memory_space<vmem>>
        %dma_wait3A_179 = tpu.memref_squeeze %dma_wait3A_178 : memref<1x128x24xf32, #tpu.memory_space<vmem>> -> memref<128x24xf32, #tpu.memory_space<vmem>>
        tpu.wait_dma2 semaphore(%run_scoped3A_155 : memref<!tpu.dma_semaphore, #tpu.memory_space<semaphore_mem>>) src(%dma_wait3A_179 : memref<128x24xf32, #tpu.memory_space<vmem>>) dst(%dma_wait3A_175 : memref<128x24xf32, #tpu.memory_space<hbm>>)
        tpu.yield
      }) : () -> ()
      %add3A_71 = arith.constant 0 : i32
      %add3A_72 = arith.addi %mul3A_55, %add3A_71 : i32
      %add3A_73 = arith.constant 4 : i32
      %add3A_74 = arith.addi %add3A_72, %add3A_73 : i32
      %lt3A = arith.constant 32 : i32
      %lt3A_75 = arith.cmpi slt, %add3A_74, %lt3A : i32
      %convert_element_type3A = arith.extui %lt3A_75 : i1 to i32
      %cond3A = arith.constant 0 : i32
      %cond3A_76 = arith.cmpi ne, %convert_element_type3A, %cond3A : i32
      scf.if %cond3A_76 {
        %add3A_155 = arith.constant 0 : i32
        %add3A_156 = arith.addi %mul3A_55, %add3A_155 : i32
        %add3A_157 = arith.constant 4 : i32
        %add3A_158 = arith.addi %add3A_156, %add3A_157 : i32
        %mul3A_159 = arith.constant 128 : i32
        %mul3A_160 = arith.muli %add3A_158, %mul3A_159 : i32
        %dma_start3A_161 = arith.constant 0 : i32
        %dma_start3A_162 = arith.constant 0 : i32
        %dma_start3A_163 = arith.constant 0 : i32
        %dma_start3A_164 = tpu.memref_slice %arg11[%dma_start3A_161, %dma_start3A_162, %dma_start3A_163] : memref<4x128x128xf32, #tpu.memory_space<vmem>> -> memref<1x128x128xf32, #tpu.memory_space<vmem>>
        %dma_start3A_165 = tpu.memref_squeeze %dma_start3A_164 : memref<1x128x128xf32, #tpu.memory_space<vmem>> -> memref<128x128xf32, #tpu.memory_space<vmem>>
        %dma_start3A_166 = tpu.memref_slice %arg10[%mul3A_160] : memref<4096xi32, #tpu.memory_space<vmem>> -> memref<128xi32, #tpu.memory_space<vmem>>
        %dma_start3A_167 = arith.constant 0 : i32
        %dma_start3A_168 = arith.constant 0 : i32
        %dma_start3A_169 = tpu.memref_slice %arg2[%dma_start3A_167, %dma_start3A_168] : memref<262144x128xf32, #tpu.memory_space<hbm>> -> memref<262144x128xf32, #tpu.memory_space<hbm>>
        tpu.enqueue_indirect_dma source(%dma_start3A_169 : memref<262144x128xf32, #tpu.memory_space<hbm>>) target(%dma_start3A_165 : memref<128x128xf32, #tpu.memory_space<vmem>>) offsets(%dma_start3A_166 : memref<128xi32, #tpu.memory_space<vmem>>) semaphore(%arg12 : memref<!tpu.dma_semaphore, #tpu.memory_space<semaphore_mem>>)
      } else {
      }
      %add3A_77 = arith.constant 1 : i32
      %add3A_78 = arith.addi %mul3A_55, %add3A_77 : i32
      %mul3A_79 = arith.constant 128 : i32
      %mul3A_80 = arith.muli %add3A_78, %mul3A_79 : i32
      %dma_wait3A_81 = arith.constant 1 : i32
      %dma_wait3A_82 = arith.constant 0 : i32
      %dma_wait3A_83 = arith.constant 0 : i32
      %dma_wait3A_84 = tpu.memref_slice %arg11[%dma_wait3A_81, %dma_wait3A_82, %dma_wait3A_83] : memref<4x128x128xf32, #tpu.memory_space<vmem>> -> memref<1x128x128xf32, #tpu.memory_space<vmem>>
      %dma_wait3A_85 = tpu.memref_squeeze %dma_wait3A_84 : memref<1x128x128xf32, #tpu.memory_space<vmem>> -> memref<128x128xf32, #tpu.memory_space<vmem>>
      %dma_wait3A_86 = tpu.memref_slice %arg10[%mul3A_80] : memref<4096xi32, #tpu.memory_space<vmem>> -> memref<128xi32, #tpu.memory_space<vmem>>
      %dma_wait3A_87 = arith.constant 0 : i32
      %dma_wait3A_88 = arith.constant 0 : i32
      %dma_wait3A_89 = tpu.memref_slice %arg2[%dma_wait3A_87, %dma_wait3A_88] : memref<262144x128xf32, #tpu.memory_space<hbm>> -> memref<262144x128xf32, #tpu.memory_space<hbm>>
      tpu.wait_indirect_dma semaphore(%arg13 : memref<!tpu.dma_semaphore, #tpu.memory_space<semaphore_mem>>) src(%dma_wait3A_89 : memref<262144x128xf32, #tpu.memory_space<hbm>>) dst(%dma_wait3A_85 : memref<128x128xf32, #tpu.memory_space<vmem>>)
      %mul3A_90 = arith.constant 128 : i32
      %mul3A_91 = arith.muli %add3A_78, %mul3A_90 : i32
      %add3A_92 = arith.addi %mul3A_2, %mul3A_91 : i32
      %run_scoped3A_93 = arith.constant 1 : i32
      "tpu.region"() ({
        %run_scoped3A_155 = tpu.sem_alloc : memref<!tpu.dma_semaphore, #tpu.memory_space<semaphore_mem>>
        %dma_start3A_156 = arith.constant 0 : i32
        %dma_start3A_157 = arith.constant 0 : i32
        %dma_start3A_158 = tpu.memref_slice %arg11[%run_scoped3A_93, %dma_start3A_156, %dma_start3A_157] : memref<4x128x128xf32, #tpu.memory_space<vmem>> -> memref<1x128x24xf32, #tpu.memory_space<vmem>>
        %dma_start3A_159 = tpu.memref_squeeze %dma_start3A_158 : memref<1x128x24xf32, #tpu.memory_space<vmem>> -> memref<128x24xf32, #tpu.memory_space<vmem>>
        %dma_start3A_160 = arith.constant 0 : i32
        %dma_start3A_161 = tpu.memref_slice %arg6[%add3A_92, %dma_start3A_160] : memref<131072x24xf32, #tpu.memory_space<hbm>> -> memref<128x24xf32, #tpu.memory_space<hbm>>
        %dma_start3A_162 = arith.constant 0 : i32
        %dma_start3A_163 = tpu.memref_slice %arg6[%add3A_92, %dma_start3A_162] : memref<131072x24xf32, #tpu.memory_space<hbm>> -> memref<128x24xf32, #tpu.memory_space<hbm>>
        %dma_start3A_164 = arith.constant 0 : i32
        %dma_start3A_165 = arith.constant 0 : i32
        %dma_start3A_166 = tpu.memref_slice %arg11[%run_scoped3A_93, %dma_start3A_164, %dma_start3A_165] : memref<4x128x128xf32, #tpu.memory_space<vmem>> -> memref<1x128x24xf32, #tpu.memory_space<vmem>>
        %dma_start3A_167 = tpu.memref_squeeze %dma_start3A_166 : memref<1x128x24xf32, #tpu.memory_space<vmem>> -> memref<128x24xf32, #tpu.memory_space<vmem>>
        tpu.enqueue_dma source(%dma_start3A_167 : memref<128x24xf32, #tpu.memory_space<vmem>>) target(%dma_start3A_163 : memref<128x24xf32, #tpu.memory_space<hbm>>) target_semaphore(%run_scoped3A_155 : memref<!tpu.dma_semaphore, #tpu.memory_space<semaphore_mem>>)
        %dma_wait3A_168 = arith.constant 0 : i32
        %dma_wait3A_169 = arith.constant 0 : i32
        %dma_wait3A_170 = tpu.memref_slice %arg11[%run_scoped3A_93, %dma_wait3A_168, %dma_wait3A_169] : memref<4x128x128xf32, #tpu.memory_space<vmem>> -> memref<1x128x24xf32, #tpu.memory_space<vmem>>
        %dma_wait3A_171 = tpu.memref_squeeze %dma_wait3A_170 : memref<1x128x24xf32, #tpu.memory_space<vmem>> -> memref<128x24xf32, #tpu.memory_space<vmem>>
        %dma_wait3A_172 = arith.constant 0 : i32
        %dma_wait3A_173 = tpu.memref_slice %arg6[%add3A_92, %dma_wait3A_172] : memref<131072x24xf32, #tpu.memory_space<hbm>> -> memref<128x24xf32, #tpu.memory_space<hbm>>
        %dma_wait3A_174 = arith.constant 0 : i32
        %dma_wait3A_175 = tpu.memref_slice %arg6[%add3A_92, %dma_wait3A_174] : memref<131072x24xf32, #tpu.memory_space<hbm>> -> memref<128x24xf32, #tpu.memory_space<hbm>>
        %dma_wait3A_176 = arith.constant 0 : i32
        %dma_wait3A_177 = arith.constant 0 : i32
        %dma_wait3A_178 = tpu.memref_slice %arg11[%run_scoped3A_93, %dma_wait3A_176, %dma_wait3A_177] : memref<4x128x128xf32, #tpu.memory_space<vmem>> -> memref<1x128x24xf32, #tpu.memory_space<vmem>>
        %dma_wait3A_179 = tpu.memref_squeeze %dma_wait3A_178 : memref<1x128x24xf32, #tpu.memory_space<vmem>> -> memref<128x24xf32, #tpu.memory_space<vmem>>
        tpu.wait_dma2 semaphore(%run_scoped3A_155 : memref<!tpu.dma_semaphore, #tpu.memory_space<semaphore_mem>>) src(%dma_wait3A_179 : memref<128x24xf32, #tpu.memory_space<vmem>>) dst(%dma_wait3A_175 : memref<128x24xf32, #tpu.memory_space<hbm>>)
        tpu.yield
      }) : () -> ()
      %add3A_94 = arith.constant 1 : i32
      %add3A_95 = arith.addi %mul3A_55, %add3A_94 : i32
      %add3A_96 = arith.constant 4 : i32
      %add3A_97 = arith.addi %add3A_95, %add3A_96 : i32
      %lt3A_98 = arith.constant 32 : i32
      %lt3A_99 = arith.cmpi slt, %add3A_97, %lt3A_98 : i32
      %convert_element_type3A_100 = arith.extui %lt3A_99 : i1 to i32
      %cond3A_101 = arith.constant 0 : i32
      %cond3A_102 = arith.cmpi ne, %convert_element_type3A_100, %cond3A_101 : i32
      scf.if %cond3A_102 {
        %add3A_155 = arith.constant 1 : i32
        %add3A_156 = arith.addi %mul3A_55, %add3A_155 : i32
        %add3A_157 = arith.constant 4 : i32
        %add3A_158 = arith.addi %add3A_156, %add3A_157 : i32
        %mul3A_159 = arith.constant 128 : i32
        %mul3A_160 = arith.muli %add3A_158, %mul3A_159 : i32
        %dma_start3A_161 = arith.constant 1 : i32
        %dma_start3A_162 = arith.constant 0 : i32
        %dma_start3A_163 = arith.constant 0 : i32
        %dma_start3A_164 = tpu.memref_slice %arg11[%dma_start3A_161, %dma_start3A_162, %dma_start3A_163] : memref<4x128x128xf32, #tpu.memory_space<vmem>> -> memref<1x128x128xf32, #tpu.memory_space<vmem>>
        %dma_start3A_165 = tpu.memref_squeeze %dma_start3A_164 : memref<1x128x128xf32, #tpu.memory_space<vmem>> -> memref<128x128xf32, #tpu.memory_space<vmem>>
        %dma_start3A_166 = tpu.memref_slice %arg10[%mul3A_160] : memref<4096xi32, #tpu.memory_space<vmem>> -> memref<128xi32, #tpu.memory_space<vmem>>
        %dma_start3A_167 = arith.constant 0 : i32
        %dma_start3A_168 = arith.constant 0 : i32
        %dma_start3A_169 = tpu.memref_slice %arg2[%dma_start3A_167, %dma_start3A_168] : memref<262144x128xf32, #tpu.memory_space<hbm>> -> memref<262144x128xf32, #tpu.memory_space<hbm>>
        tpu.enqueue_indirect_dma source(%dma_start3A_169 : memref<262144x128xf32, #tpu.memory_space<hbm>>) target(%dma_start3A_165 : memref<128x128xf32, #tpu.memory_space<vmem>>) offsets(%dma_start3A_166 : memref<128xi32, #tpu.memory_space<vmem>>) semaphore(%arg13 : memref<!tpu.dma_semaphore, #tpu.memory_space<semaphore_mem>>)
      } else {
      }
      %add3A_103 = arith.constant 2 : i32
      %add3A_104 = arith.addi %mul3A_55, %add3A_103 : i32
      %mul3A_105 = arith.constant 128 : i32
      %mul3A_106 = arith.muli %add3A_104, %mul3A_105 : i32
      %dma_wait3A_107 = arith.constant 2 : i32
      %dma_wait3A_108 = arith.constant 0 : i32
      %dma_wait3A_109 = arith.constant 0 : i32
      %dma_wait3A_110 = tpu.memref_slice %arg11[%dma_wait3A_107, %dma_wait3A_108, %dma_wait3A_109] : memref<4x128x128xf32, #tpu.memory_space<vmem>> -> memref<1x128x128xf32, #tpu.memory_space<vmem>>
      %dma_wait3A_111 = tpu.memref_squeeze %dma_wait3A_110 : memref<1x128x128xf32, #tpu.memory_space<vmem>> -> memref<128x128xf32, #tpu.memory_space<vmem>>
      %dma_wait3A_112 = tpu.memref_slice %arg10[%mul3A_106] : memref<4096xi32, #tpu.memory_space<vmem>> -> memref<128xi32, #tpu.memory_space<vmem>>
      %dma_wait3A_113 = arith.constant 0 : i32
      %dma_wait3A_114 = arith.constant 0 : i32
      %dma_wait3A_115 = tpu.memref_slice %arg2[%dma_wait3A_113, %dma_wait3A_114] : memref<262144x128xf32, #tpu.memory_space<hbm>> -> memref<262144x128xf32, #tpu.memory_space<hbm>>
      tpu.wait_indirect_dma semaphore(%arg14 : memref<!tpu.dma_semaphore, #tpu.memory_space<semaphore_mem>>) src(%dma_wait3A_115 : memref<262144x128xf32, #tpu.memory_space<hbm>>) dst(%dma_wait3A_111 : memref<128x128xf32, #tpu.memory_space<vmem>>)
      %mul3A_116 = arith.constant 128 : i32
      %mul3A_117 = arith.muli %add3A_104, %mul3A_116 : i32
      %add3A_118 = arith.addi %mul3A_2, %mul3A_117 : i32
      %run_scoped3A_119 = arith.constant 2 : i32
      "tpu.region"() ({
        %run_scoped3A_155 = tpu.sem_alloc : memref<!tpu.dma_semaphore, #tpu.memory_space<semaphore_mem>>
        %dma_start3A_156 = arith.constant 0 : i32
        %dma_start3A_157 = arith.constant 0 : i32
        %dma_start3A_158 = tpu.memref_slice %arg11[%run_scoped3A_119, %dma_start3A_156, %dma_start3A_157] : memref<4x128x128xf32, #tpu.memory_space<vmem>> -> memref<1x128x24xf32, #tpu.memory_space<vmem>>
        %dma_start3A_159 = tpu.memref_squeeze %dma_start3A_158 : memref<1x128x24xf32, #tpu.memory_space<vmem>> -> memref<128x24xf32, #tpu.memory_space<vmem>>
        %dma_start3A_160 = arith.constant 0 : i32
        %dma_start3A_161 = tpu.memref_slice %arg6[%add3A_118, %dma_start3A_160] : memref<131072x24xf32, #tpu.memory_space<hbm>> -> memref<128x24xf32, #tpu.memory_space<hbm>>
        %dma_start3A_162 = arith.constant 0 : i32
        %dma_start3A_163 = tpu.memref_slice %arg6[%add3A_118, %dma_start3A_162] : memref<131072x24xf32, #tpu.memory_space<hbm>> -> memref<128x24xf32, #tpu.memory_space<hbm>>
        %dma_start3A_164 = arith.constant 0 : i32
        %dma_start3A_165 = arith.constant 0 : i32
        %dma_start3A_166 = tpu.memref_slice %arg11[%run_scoped3A_119, %dma_start3A_164, %dma_start3A_165] : memref<4x128x128xf32, #tpu.memory_space<vmem>> -> memref<1x128x24xf32, #tpu.memory_space<vmem>>
        %dma_start3A_167 = tpu.memref_squeeze %dma_start3A_166 : memref<1x128x24xf32, #tpu.memory_space<vmem>> -> memref<128x24xf32, #tpu.memory_space<vmem>>
        tpu.enqueue_dma source(%dma_start3A_167 : memref<128x24xf32, #tpu.memory_space<vmem>>) target(%dma_start3A_163 : memref<128x24xf32, #tpu.memory_space<hbm>>) target_semaphore(%run_scoped3A_155 : memref<!tpu.dma_semaphore, #tpu.memory_space<semaphore_mem>>)
        %dma_wait3A_168 = arith.constant 0 : i32
        %dma_wait3A_169 = arith.constant 0 : i32
        %dma_wait3A_170 = tpu.memref_slice %arg11[%run_scoped3A_119, %dma_wait3A_168, %dma_wait3A_169] : memref<4x128x128xf32, #tpu.memory_space<vmem>> -> memref<1x128x24xf32, #tpu.memory_space<vmem>>
        %dma_wait3A_171 = tpu.memref_squeeze %dma_wait3A_170 : memref<1x128x24xf32, #tpu.memory_space<vmem>> -> memref<128x24xf32, #tpu.memory_space<vmem>>
        %dma_wait3A_172 = arith.constant 0 : i32
        %dma_wait3A_173 = tpu.memref_slice %arg6[%add3A_118, %dma_wait3A_172] : memref<131072x24xf32, #tpu.memory_space<hbm>> -> memref<128x24xf32, #tpu.memory_space<hbm>>
        %dma_wait3A_174 = arith.constant 0 : i32
        %dma_wait3A_175 = tpu.memref_slice %arg6[%add3A_118, %dma_wait3A_174] : memref<131072x24xf32, #tpu.memory_space<hbm>> -> memref<128x24xf32, #tpu.memory_space<hbm>>
        %dma_wait3A_176 = arith.constant 0 : i32
        %dma_wait3A_177 = arith.constant 0 : i32
        %dma_wait3A_178 = tpu.memref_slice %arg11[%run_scoped3A_119, %dma_wait3A_176, %dma_wait3A_177] : memref<4x128x128xf32, #tpu.memory_space<vmem>> -> memref<1x128x24xf32, #tpu.memory_space<vmem>>
        %dma_wait3A_179 = tpu.memref_squeeze %dma_wait3A_178 : memref<1x128x24xf32, #tpu.memory_space<vmem>> -> memref<128x24xf32, #tpu.memory_space<vmem>>
        tpu.wait_dma2 semaphore(%run_scoped3A_155 : memref<!tpu.dma_semaphore, #tpu.memory_space<semaphore_mem>>) src(%dma_wait3A_179 : memref<128x24xf32, #tpu.memory_space<vmem>>) dst(%dma_wait3A_175 : memref<128x24xf32, #tpu.memory_space<hbm>>)
        tpu.yield
      }) : () -> ()
      %add3A_120 = arith.constant 2 : i32
      %add3A_121 = arith.addi %mul3A_55, %add3A_120 : i32
      %add3A_122 = arith.constant 4 : i32
      %add3A_123 = arith.addi %add3A_121, %add3A_122 : i32
      %lt3A_124 = arith.constant 32 : i32
      %lt3A_125 = arith.cmpi slt, %add3A_123, %lt3A_124 : i32
      %convert_element_type3A_126 = arith.extui %lt3A_125 : i1 to i32
      %cond3A_127 = arith.constant 0 : i32
      %cond3A_128 = arith.cmpi ne, %convert_element_type3A_126, %cond3A_127 : i32
      scf.if %cond3A_128 {
        %add3A_155 = arith.constant 2 : i32
        %add3A_156 = arith.addi %mul3A_55, %add3A_155 : i32
        %add3A_157 = arith.constant 4 : i32
        %add3A_158 = arith.addi %add3A_156, %add3A_157 : i32
        %mul3A_159 = arith.constant 128 : i32
        %mul3A_160 = arith.muli %add3A_158, %mul3A_159 : i32
        %dma_start3A_161 = arith.constant 2 : i32
        %dma_start3A_162 = arith.constant 0 : i32
        %dma_start3A_163 = arith.constant 0 : i32
        %dma_start3A_164 = tpu.memref_slice %arg11[%dma_start3A_161, %dma_start3A_162, %dma_start3A_163] : memref<4x128x128xf32, #tpu.memory_space<vmem>> -> memref<1x128x128xf32, #tpu.memory_space<vmem>>
        %dma_start3A_165 = tpu.memref_squeeze %dma_start3A_164 : memref<1x128x128xf32, #tpu.memory_space<vmem>> -> memref<128x128xf32, #tpu.memory_space<vmem>>
        %dma_start3A_166 = tpu.memref_slice %arg10[%mul3A_160] : memref<4096xi32, #tpu.memory_space<vmem>> -> memref<128xi32, #tpu.memory_space<vmem>>
        %dma_start3A_167 = arith.constant 0 : i32
        %dma_start3A_168 = arith.constant 0 : i32
        %dma_start3A_169 = tpu.memref_slice %arg2[%dma_start3A_167, %dma_start3A_168] : memref<262144x128xf32, #tpu.memory_space<hbm>> -> memref<262144x128xf32, #tpu.memory_space<hbm>>
        tpu.enqueue_indirect_dma source(%dma_start3A_169 : memref<262144x128xf32, #tpu.memory_space<hbm>>) target(%dma_start3A_165 : memref<128x128xf32, #tpu.memory_space<vmem>>) offsets(%dma_start3A_166 : memref<128xi32, #tpu.memory_space<vmem>>) semaphore(%arg14 : memref<!tpu.dma_semaphore, #tpu.memory_space<semaphore_mem>>)
      } else {
      }
      %add3A_129 = arith.constant 3 : i32
      %add3A_130 = arith.addi %mul3A_55, %add3A_129 : i32
      %mul3A_131 = arith.constant 128 : i32
      %mul3A_132 = arith.muli %add3A_130, %mul3A_131 : i32
      %dma_wait3A_133 = arith.constant 3 : i32
      %dma_wait3A_134 = arith.constant 0 : i32
      %dma_wait3A_135 = arith.constant 0 : i32
      %dma_wait3A_136 = tpu.memref_slice %arg11[%dma_wait3A_133, %dma_wait3A_134, %dma_wait3A_135] : memref<4x128x128xf32, #tpu.memory_space<vmem>> -> memref<1x128x128xf32, #tpu.memory_space<vmem>>
      %dma_wait3A_137 = tpu.memref_squeeze %dma_wait3A_136 : memref<1x128x128xf32, #tpu.memory_space<vmem>> -> memref<128x128xf32, #tpu.memory_space<vmem>>
      %dma_wait3A_138 = tpu.memref_slice %arg10[%mul3A_132] : memref<4096xi32, #tpu.memory_space<vmem>> -> memref<128xi32, #tpu.memory_space<vmem>>
      %dma_wait3A_139 = arith.constant 0 : i32
      %dma_wait3A_140 = arith.constant 0 : i32
      %dma_wait3A_141 = tpu.memref_slice %arg2[%dma_wait3A_139, %dma_wait3A_140] : memref<262144x128xf32, #tpu.memory_space<hbm>> -> memref<262144x128xf32, #tpu.memory_space<hbm>>
      tpu.wait_indirect_dma semaphore(%arg15 : memref<!tpu.dma_semaphore, #tpu.memory_space<semaphore_mem>>) src(%dma_wait3A_141 : memref<262144x128xf32, #tpu.memory_space<hbm>>) dst(%dma_wait3A_137 : memref<128x128xf32, #tpu.memory_space<vmem>>)
      %mul3A_142 = arith.constant 128 : i32
      %mul3A_143 = arith.muli %add3A_130, %mul3A_142 : i32
      %add3A_144 = arith.addi %mul3A_2, %mul3A_143 : i32
      %run_scoped3A_145 = arith.constant 3 : i32
      "tpu.region"() ({
        %run_scoped3A_155 = tpu.sem_alloc : memref<!tpu.dma_semaphore, #tpu.memory_space<semaphore_mem>>
        %dma_start3A_156 = arith.constant 0 : i32
        %dma_start3A_157 = arith.constant 0 : i32
        %dma_start3A_158 = tpu.memref_slice %arg11[%run_scoped3A_145, %dma_start3A_156, %dma_start3A_157] : memref<4x128x128xf32, #tpu.memory_space<vmem>> -> memref<1x128x24xf32, #tpu.memory_space<vmem>>
        %dma_start3A_159 = tpu.memref_squeeze %dma_start3A_158 : memref<1x128x24xf32, #tpu.memory_space<vmem>> -> memref<128x24xf32, #tpu.memory_space<vmem>>
        %dma_start3A_160 = arith.constant 0 : i32
        %dma_start3A_161 = tpu.memref_slice %arg6[%add3A_144, %dma_start3A_160] : memref<131072x24xf32, #tpu.memory_space<hbm>> -> memref<128x24xf32, #tpu.memory_space<hbm>>
        %dma_start3A_162 = arith.constant 0 : i32
        %dma_start3A_163 = tpu.memref_slice %arg6[%add3A_144, %dma_start3A_162] : memref<131072x24xf32, #tpu.memory_space<hbm>> -> memref<128x24xf32, #tpu.memory_space<hbm>>
        %dma_start3A_164 = arith.constant 0 : i32
        %dma_start3A_165 = arith.constant 0 : i32
        %dma_start3A_166 = tpu.memref_slice %arg11[%run_scoped3A_145, %dma_start3A_164, %dma_start3A_165] : memref<4x128x128xf32, #tpu.memory_space<vmem>> -> memref<1x128x24xf32, #tpu.memory_space<vmem>>
        %dma_start3A_167 = tpu.memref_squeeze %dma_start3A_166 : memref<1x128x24xf32, #tpu.memory_space<vmem>> -> memref<128x24xf32, #tpu.memory_space<vmem>>
        tpu.enqueue_dma source(%dma_start3A_167 : memref<128x24xf32, #tpu.memory_space<vmem>>) target(%dma_start3A_163 : memref<128x24xf32, #tpu.memory_space<hbm>>) target_semaphore(%run_scoped3A_155 : memref<!tpu.dma_semaphore, #tpu.memory_space<semaphore_mem>>)
        %dma_wait3A_168 = arith.constant 0 : i32
        %dma_wait3A_169 = arith.constant 0 : i32
        %dma_wait3A_170 = tpu.memref_slice %arg11[%run_scoped3A_145, %dma_wait3A_168, %dma_wait3A_169] : memref<4x128x128xf32, #tpu.memory_space<vmem>> -> memref<1x128x24xf32, #tpu.memory_space<vmem>>
        %dma_wait3A_171 = tpu.memref_squeeze %dma_wait3A_170 : memref<1x128x24xf32, #tpu.memory_space<vmem>> -> memref<128x24xf32, #tpu.memory_space<vmem>>
        %dma_wait3A_172 = arith.constant 0 : i32
        %dma_wait3A_173 = tpu.memref_slice %arg6[%add3A_144, %dma_wait3A_172] : memref<131072x24xf32, #tpu.memory_space<hbm>> -> memref<128x24xf32, #tpu.memory_space<hbm>>
        %dma_wait3A_174 = arith.constant 0 : i32
        %dma_wait3A_175 = tpu.memref_slice %arg6[%add3A_144, %dma_wait3A_174] : memref<131072x24xf32, #tpu.memory_space<hbm>> -> memref<128x24xf32, #tpu.memory_space<hbm>>
        %dma_wait3A_176 = arith.constant 0 : i32
        %dma_wait3A_177 = arith.constant 0 : i32
        %dma_wait3A_178 = tpu.memref_slice %arg11[%run_scoped3A_145, %dma_wait3A_176, %dma_wait3A_177] : memref<4x128x128xf32, #tpu.memory_space<vmem>> -> memref<1x128x24xf32, #tpu.memory_space<vmem>>
        %dma_wait3A_179 = tpu.memref_squeeze %dma_wait3A_178 : memref<1x128x24xf32, #tpu.memory_space<vmem>> -> memref<128x24xf32, #tpu.memory_space<vmem>>
        tpu.wait_dma2 semaphore(%run_scoped3A_155 : memref<!tpu.dma_semaphore, #tpu.memory_space<semaphore_mem>>) src(%dma_wait3A_179 : memref<128x24xf32, #tpu.memory_space<vmem>>) dst(%dma_wait3A_175 : memref<128x24xf32, #tpu.memory_space<hbm>>)
        tpu.yield
      }) : () -> ()
      %add3A_146 = arith.constant 3 : i32
      %add3A_147 = arith.addi %mul3A_55, %add3A_146 : i32
      %add3A_148 = arith.constant 4 : i32
      %add3A_149 = arith.addi %add3A_147, %add3A_148 : i32
      %lt3A_150 = arith.constant 32 : i32
      %lt3A_151 = arith.cmpi slt, %add3A_149, %lt3A_150 : i32
      %convert_element_type3A_152 = arith.extui %lt3A_151 : i1 to i32
      %cond3A_153 = arith.constant 0 : i32
      %cond3A_154 = arith.cmpi ne, %convert_element_type3A_152, %cond3A_153 : i32
      scf.if %cond3A_154 {
        %add3A_155 = arith.constant 3 : i32
        %add3A_156 = arith.addi %mul3A_55, %add3A_155 : i32
        %add3A_157 = arith.constant 4 : i32
        %add3A_158 = arith.addi %add3A_156, %add3A_157 : i32
        %mul3A_159 = arith.constant 128 : i32
        %mul3A_160 = arith.muli %add3A_158, %mul3A_159 : i32
        %dma_start3A_161 = arith.constant 3 : i32
        %dma_start3A_162 = arith.constant 0 : i32
        %dma_start3A_163 = arith.constant 0 : i32
        %dma_start3A_164 = tpu.memref_slice %arg11[%dma_start3A_161, %dma_start3A_162, %dma_start3A_163] : memref<4x128x128xf32, #tpu.memory_space<vmem>> -> memref<1x128x128xf32, #tpu.memory_space<vmem>>
        %dma_start3A_165 = tpu.memref_squeeze %dma_start3A_164 : memref<1x128x128xf32, #tpu.memory_space<vmem>> -> memref<128x128xf32, #tpu.memory_space<vmem>>
        %dma_start3A_166 = tpu.memref_slice %arg10[%mul3A_160] : memref<4096xi32, #tpu.memory_space<vmem>> -> memref<128xi32, #tpu.memory_space<vmem>>
        %dma_start3A_167 = arith.constant 0 : i32
        %dma_start3A_168 = arith.constant 0 : i32
        %dma_start3A_169 = tpu.memref_slice %arg2[%dma_start3A_167, %dma_start3A_168] : memref<262144x128xf32, #tpu.memory_space<hbm>> -> memref<262144x128xf32, #tpu.memory_space<hbm>>
        tpu.enqueue_indirect_dma source(%dma_start3A_169 : memref<262144x128xf32, #tpu.memory_space<hbm>>) target(%dma_start3A_165 : memref<128x128xf32, #tpu.memory_space<vmem>>) offsets(%dma_start3A_166 : memref<128xi32, #tpu.memory_space<vmem>>) semaphore(%arg15 : memref<!tpu.dma_semaphore, #tpu.memory_space<semaphore_mem>>)
      } else {
      }
    }
    %scan3A_52 = arith.constant 8 : i32
    return
  }
}

module attributes {stable_mosaic.version = 14 : i64} {
  func.func @body(%arg0: i32, %arg1: memref<128x16384xf32, #tpu.memory_space<vmem>>, %arg2: memref<64x128xf32, #tpu.memory_space<vmem>>, %arg3: memref<1x64xf32, #tpu.memory_space<vmem>>, %arg4: memref<128x64xf32, #tpu.memory_space<vmem>>, %arg5: memref<1x128xf32, #tpu.memory_space<vmem>>, %arg6: memref<16384x128xf32, #tpu.memory_space<vmem>>) attributes {dimension_semantics = [#tpu.dimension_semantics<arbitrary>], iteration_bounds = array<i64: 16>, scalar_prefetch = 0 : i64, scratch_operands = 0 : i64, tpu.core_type = #tpu.core_type<tc>, window_params = [{transform_indices = @transform_0, window_bounds = array<i64: 128, 16384>}, {pipeline_mode = #tpu.pipeline_mode<synchronous>, transform_indices = @transform_1, window_bounds = array<i64: 64, 128>}, {pipeline_mode = #tpu.pipeline_mode<synchronous>, transform_indices = @transform_2, window_bounds = array<i64: 1, 64>}, {pipeline_mode = #tpu.pipeline_mode<synchronous>, transform_indices = @transform_3, window_bounds = array<i64: 128, 64>}, {pipeline_mode = #tpu.pipeline_mode<synchronous>, transform_indices = @transform_4, window_bounds = array<i64: 1, 128>}, {transform_indices = @transform_5, window_bounds = array<i64: 16384, 128>}]} {
    %get3A = arith.constant 0 : index
    %get3A_0 = arith.constant 0 : index
    %get3A_1 = vector.load %arg1[%get3A, %get3A_0] : memref<128x16384xf32, #tpu.memory_space<vmem>>, vector<128x16384xf32>
    %convert_element_type3A = arith.truncf %get3A_1 : vector<128x16384xf32> to vector<128x16384xbf16>
    %get3A_2 = arith.constant 0 : index
    %get3A_3 = arith.constant 0 : index
    %get3A_4 = vector.load %arg2[%get3A_2, %get3A_3] : memref<64x128xf32, #tpu.memory_space<vmem>>, vector<64x128xf32>
    %convert_element_type3A_5 = arith.truncf %get3A_4 : vector<64x128xf32> to vector<64x128xbf16>
    %dot_general3A = arith.constant dense<0.000000e+00> : vector<16384x64xf32>
    %dot_general3A_6 = tpu.matmul %convert_element_type3A, %convert_element_type3A_5, %dot_general3A {dimension_numbers = #tpu.dot_dimension_numbers<[0], [1], [1], [0], [0, 1, 1, 0], [], []>, transpose_lhs_hint = false} : vector<128x16384xbf16>, vector<64x128xbf16>, vector<16384x64xf32> -> vector<16384x64xf32>
    %get3A_7 = arith.constant 0 : index
    %get3A_8 = arith.constant 0 : index
    %get3A_9 = vector.load %arg3[%get3A_7, %get3A_8] : memref<1x64xf32, #tpu.memory_space<vmem>>, vector<1x64xf32>
    %add3A = vector.broadcast %get3A_9 : vector<1x64xf32> to vector<16384x64xf32>
    %add3A_10 = arith.addf %dot_general3A_6, %add3A : vector<16384x64xf32>
    %max3A = arith.constant 0.000000e+00 : f32
    %max3A_11 = vector.broadcast %max3A : f32 to vector<16384x64xf32>
    %max3A_12 = arith.maximumf %add3A_10, %max3A_11 : vector<16384x64xf32>
    %convert_element_type3A_13 = arith.truncf %max3A_12 : vector<16384x64xf32> to vector<16384x64xbf16>
    %get3A_14 = arith.constant 0 : index
    %get3A_15 = arith.constant 0 : index
    %get3A_16 = vector.load %arg4[%get3A_14, %get3A_15] : memref<128x64xf32, #tpu.memory_space<vmem>>, vector<128x64xf32>
    %convert_element_type3A_17 = arith.truncf %get3A_16 : vector<128x64xf32> to vector<128x64xbf16>
    %dot_general3A_18 = arith.constant dense<0.000000e+00> : vector<16384x128xf32>
    %dot_general3A_19 = tpu.matmul %convert_element_type3A_13, %convert_element_type3A_17, %dot_general3A_18 {dimension_numbers = #tpu.dot_dimension_numbers<[1], [1], [0], [0], [0, 0, 1, 0], [], []>, transpose_lhs_hint = false} : vector<16384x64xbf16>, vector<128x64xbf16>, vector<16384x128xf32> -> vector<16384x128xf32>
    %get3A_20 = arith.constant 0 : index
    %get3A_21 = arith.constant 0 : index
    %get3A_22 = vector.load %arg5[%get3A_20, %get3A_21] : memref<1x128xf32, #tpu.memory_space<vmem>>, vector<1x128xf32>
    %add3A_23 = vector.broadcast %get3A_22 : vector<1x128xf32> to vector<16384x128xf32>
    %add3A_24 = arith.addf %dot_general3A_19, %add3A_23 : vector<16384x128xf32>
    %swap3A = arith.constant 0 : index
    %swap3A_25 = arith.constant 0 : index
    %swap3A_26 = vector.load %arg6[%swap3A, %swap3A_25] : memref<16384x128xf32, #tpu.memory_space<vmem>>, vector<16384x128xf32>
    tpu.vector_store %arg6[%swap3A, %swap3A_25], %add3A_24 {strides = array<i32>} : memref<16384x128xf32, #tpu.memory_space<vmem>>, vector<16384x128xf32>,
    return
  }
  func.func @transform_0(%arg0: i32) -> (i32, i32) {
    %c0_i32 = arith.constant 0 : i32
    %c0_i32_0 = arith.constant 0 : i32
    return %c0_i32, %arg0 : i32, i32
  }
  func.func @transform_1(%arg0: i32) -> (i32, i32) {
    %c0_i32 = arith.constant 0 : i32
    %c0_i32_0 = arith.constant 0 : i32
    %c0_i32_1 = arith.constant 0 : i32
    return %c0_i32, %c0_i32_0 : i32, i32
  }
  func.func @transform_2(%arg0: i32) -> (i32, i32) {
    %c0_i32 = arith.constant 0 : i32
    %c0_i32_0 = arith.constant 0 : i32
    %c0_i32_1 = arith.constant 0 : i32
    return %c0_i32, %c0_i32_0 : i32, i32
  }
  func.func @transform_3(%arg0: i32) -> (i32, i32) {
    %c0_i32 = arith.constant 0 : i32
    %c0_i32_0 = arith.constant 0 : i32
    %c0_i32_1 = arith.constant 0 : i32
    return %c0_i32, %c0_i32_0 : i32, i32
  }
  func.func @transform_4(%arg0: i32) -> (i32, i32) {
    %c0_i32 = arith.constant 0 : i32
    %c0_i32_0 = arith.constant 0 : i32
    %c0_i32_1 = arith.constant 0 : i32
    return %c0_i32, %c0_i32_0 : i32, i32
  }
  func.func @transform_5(%arg0: i32) -> (i32, i32) {
    %c0_i32 = arith.constant 0 : i32
    %c0_i32_0 = arith.constant 0 : i32
    return %arg0, %c0_i32 : i32, i32
  }
}

</mosaic_0001>

<sc_bundles>
// kernel: kernel.4.cloned.1.call-start
scs
__scs_entry_jumppad:
0x0: {  	(pc) =	sbr.rel $0x88, $3  }
0x1: {  	(tag) =	ssettag $0x0;
	lr =	simm.s32 $0x1  }
0x2: {  	[smem:$0x3F9B] =	sst lr;
	_ =	strace $0xD0000000  }
0x3: {  	_ = 	snop  }
0x4: {  	_ = 	snop  }
0x5: {  	_ = 	snop  }
0x6: {  	_ = 	snop  }
0x7: {  	_ = 	snop  }
__scs_overlays_trampoline_lowered:
0x8: {  	[smem:$0x3FAA] =	sst s0  }
0x9: {  	[smem:$0x3FAB] =	sst s1  }
0xa: {  	[smem:$0x3FAC] =	sst s2  }
0xb: {  	[smem:$0x3FAD] =	sst s3  }
0xc: {  	[smem:$0x3FAE] =	sst s4  }
0xd: {  	[smem:$0x3FAF] =	sst s5  }
0xe: {  	[smem:$0x3FB0] =	sst s6  }
0xf: {  	[smem:$0x3FB1] =	sst s7  }
0x10: {  	[smem:$0x3FB2] =	sst s8  }
0x11: {  	[smem:$0x3FB3] =	sst s9;
	s0 =	simm.s32 @!p0 $0x0  }
0x12: {  	s1 =	sld [smem:$0x3F99];
	s0 =	simm.s32 @p0 $0x1  }
0x13: {  	[smem:$0x3FB4] =	sst s0;
	s0 =	simm.s32 @!p1 $0x0  }
0x14: {  	s2 =	sld [smem:$0x3F98];
	s0 =	simm.s32 @p1 $0x1  }
0x15: {  	[smem:$0x3FB5] =	sst s0;
	s0 =	simm.s32 @!p2 $0x0  }
0x16: {  	s3 =	sld [smem:$0x3FDB];
	s0 =	simm.s32 @p2 $0x1  }
0x17: {  	s4 =	simm.s32 $0x1BF5;
	[smem:$0x3FB7] =	sst s0  }
0x18: {  	s0 =	sld [smem:$0x3F9A];
	_ =	swait.ge [sflag:s4], $0x0  }
0x19: {  	s7 =	sld [smem:$0x3F9B]  }
0x1a: {  	s8 =	sadd.s32 $0xFFFFE003, lr  }
0x1b: {  	s9 =	sadd.s32 $0xFFFFFEF7, lr;
	s5 =	simm.s32 $0xFFFFFFFF;
	p2 =	slt.u32 s8, $0xFFFFF086  }
0x1c: {  	p1 =	slt.u32 s9, $0xF7A;
	s5 =	simm.s32 @!p2 $0x0  }
0x1d: {  	s5 =	simm.s32 @p1 $0x1;
	p0 =	seq.s32 s7, s2  }
0x1e: {  	s7 =	smul.u32 @!p0 $0xF7A, s2;
	p2 =	seq.s32 @!p0 s5, $0x0  }
0x1f: {  	s9 =	smul.u32 $0xF7A, s1;
	s8 =	simm.s32 @!p0 $0x1BF5;
	p2 =	por !p2, p0  }
0x20: {  	[sflag:s8] =	ssyncset.s32 @!p0 $0xFFFFF086;
	s6 =	sadd.s32 @!p0 s3, s7;
	s7 =	simm.s32 @!p0 $0x108  }
0x21: {  	s3 =	sadd.s32 s3, s9;
	s6 =	sadd.s32 @!p0 $0x88, s6;
	s7 =	simm.s32 @p2 $0x1082  }
0x22: {  	[simem:s7], [sflag:s8] =	dma.local @!p0 [hbm:s6], $0xF7A  }
0x23: {  	s9 =	sor.u32 $0xD0000000, s2;
	s6 =	simm.s32 $0x108;
	_ =	swait.ge @!p0 [sflag:s8], $0x0  }
0x24: {  	s3 =	sadd.s32 $0x88, s3;
	s6 =	simm.s32 @!p1 $0x1082;
	[sflag:s4] =	ssyncset.s32 $0xFFFFF086  }
0x25: {  	[simem:s6], [sflag:s4] =	dma.local [hbm:s3], $0xF7A  }
0x26: {  	[smem:$0x3F9B] =	sst s1;
	(tag) =	ssettag s2;
	_ =	strace s9  }
0x27: {  	s1 =	sld [smem:$0x3FAB]  }
0x28: {  	s2 =	sld [smem:$0x3FAC]  }
0x29: {  	s4 =	sld [smem:$0x3FAE]  }
0x2a: {  	p0 =	seq.s32 s5, $0x0;
	s5 =	sld [smem:$0x3FAF]  }
0x2b: {  	s6 =	sld [smem:$0x3FB0]  }
0x2c: {  	s7 =	sld [smem:$0x3FB1]  }
0x2d: {  	s3 =	simm.s32 $0x108;
	s8 =	sld [smem:$0x3FB2]  }
0x2e: {  	s3 =	simm.s32 @!p0 $0x1082;
	s9 =	sld [smem:$0x3FB3]  }
0x2f: {  	lr =	sadd.s32 s0, s3;
	s0 =	sld [smem:$0x3FAA]  }
0x30: {  	s3 =	sld [smem:$0x3FAD]  }
0x31: {  	[smem:$0x3FB6] =	sst s10  }
0x32: {  	s10 =	sld [smem:$0x3FB4];
	_ =	sdelay $0x3  }
0x33: {  	p0 =	seq.s32 s10, $0x1;
	s10 =	sld [smem:$0x3FB6];
	_ =	sdelay $0x3  }
0x34: {  	[smem:$0x3FB6] =	sst s10  }
0x35: {  	s10 =	sld [smem:$0x3FB5];
	_ =	sdelay $0x3  }
0x36: {  	p1 =	seq.s32 s10, $0x1;
	s10 =	sld [smem:$0x3FB6];
	_ =	sdelay $0x3  }
0x37: {  	[smem:$0x3FB6] =	sst s10  }
0x38: {  	s10 =	sld [smem:$0x3FB7]  }
0x39: {  	_ = 	snop;
	(pc) =	sbr.ind lr, $3  }
0x3a: {  	_ = 	snop  }
0x3b: {  	_ = 	snop  }
0x3c: {  	p2 =	seq.s32 s10, $0x1;
	s10 =	sld [smem:$0x3FB6]  }
0x3d: {  	_ =	shalt  }
0x3e: {  	_ =	shalt  }
0x3f: {  	_ =	shalt  }
0x40: {  	_ =	shalt  }
0x41: {  	_ =	shalt  }
0x42: {  	_ =	shalt  }
0x43: {  	_ =	shalt  }
0x44: {  	_ =	shalt  }
0x45: {  	_ =	shalt  }
0x46: {  	_ =	shalt  }
0x47: {  	_ =	shalt  }
0x48: {  	_ =	shalt  }
0x49: {  	_ =	shalt  }
0x4a: {  	_ =	shalt  }
0x4b: {  	_ =	shalt  }
0x4c: {  	_ =	shalt  }
0x4d: {  	_ =	shalt  }
0x4e: {  	_ =	shalt  }
0x4f: {  	_ =	shalt  }
0x50: {  	_ =	shalt  }
0x51: {  	_ =	shalt  }
0x52: {  	_ =	shalt  }
0x53: {  	_ =	shalt  }
0x54: {  	_ =	shalt  }
0x55: {  	_ =	shalt  }
0x56: {  	_ =	shalt  }
0x57: {  	_ =	shalt  }
0x58: {  	_ =	shalt  }
0x59: {  	_ =	shalt  }
0x5a: {  	_ =	shalt  }
0x5b: {  	_ =	shalt  }
0x5c: {  	_ =	shalt  }
0x5d: {  	_ =	shalt  }
0x5e: {  	_ =	shalt  }
0x5f: {  	_ =	shalt  }
0x60: {  	_ =	shalt  }
0x61: {  	_ =	shalt  }
0x62: {  	_ =	shalt  }
0x63: {  	_ =	shalt  }
0x64: {  	_ =	shalt  }
0x65: {  	_ =	shalt  }
0x66: {  	_ =	shalt  }
0x67: {  	_ =	shalt  }
0x68: {  	_ =	shalt  }
0x69: {  	_ =	shalt  }
0x6a: {  	_ =	shalt  }
0x6b: {  	_ =	shalt  }
0x6c: {  	_ =	shalt  }
0x6d: {  	_ =	shalt  }
0x6e: {  	_ =	shalt  }
0x6f: {  	_ =	shalt  }
0x70: {  	_ =	shalt  }
0x71: {  	_ =	shalt  }
0x72: {  	_ =	shalt  }
0x73: {  	_ =	shalt  }
0x74: {  	_ =	shalt  }
0x75: {  	_ =	shalt  }
0x76: {  	_ =	shalt  }
0x77: {  	_ =	shalt  }
0x78: {  	_ =	shalt  }
0x79: {  	_ =	shalt  }
0x7a: {  	_ =	shalt  }
0x7b: {  	_ =	shalt  }
0x7c: {  	_ =	shalt  }
0x7d: {  	_ =	shalt  }
0x7e: {  	_ =	shalt  }
0x7f: {  	_ =	shalt  }
0x80: {  	_ =	shalt  }
0x81: {  	_ =	shalt  }
0x82: {  	_ =	shalt  }
0x83: {  	_ =	shalt  }
0x84: {  	_ =	shalt  }
0x85: {  	_ =	shalt  }
0x86: {  	_ =	shalt  }
0x87: {  	_ =	shalt  }
.Lfunc_end0:
.L_simem_size_0:
called_computation_lowered:
.L_overlay_start_0:
0x88: {  	s2 =	sld [smem:$0x3FD9]  }
0x89: {  	s3 =	sld [smem:$0x3FFE];
	_ =	sdelay $0x1  }
0x8a: {  	s1 =	srdreg.scid  }
0x8b: {  	s0 =	sand.u32 $0x1, s1  }
0x8c: {  	s17 =	sshll.u32 s0, $0xA;
	s2 =	sadd.s32 s3, s2  }
0x8d: {  	s2 =	sadd.s32 s2, s17  }
0x8e: {  	[smem:$0x3FC2] =	sst s2  }
0x8f: {  	_ = 	snop  }
0x90: {  	s2 =	sld [smem:$0x3FD0];
	(tm) =	ssettm $0x1  }
0x91: {  	s18 =	sld [smem:$0x3FFB];
	_ =	sdelay $0x3  }
0x92: {  	_ =	strace s18  }
0x93: {  	s3 =	sld [smem:$0x3FFC];
	_ =	sdelay $0x3  }
0x94: {  	_ =	strace s3  }
0x95: {  	s3 =	sld [smem:$0x3FFD];
	_ =	sdelay $0x3  }
0x96: {  	_ =	strace s3  }
0x97: {  	_ =	strace $0x8FFFFFFF  }
0x98: {  	s19 =	sld [smem:$0x3FDB];
	_ =	sdelay $0x1  }
0x99: {  	s4 =	simm.s32 $_scs_section_size  }
0x9a: {  	s5 =	simm.s32 $_size__tile_overlayer_lowered;
	s6 =	simm.s32 $_tile_overlayer_lowered  }
0x9b: {  	s22 =	simm.s32 $0x1BFF;
	s21 =	sshll.u32 s6, $0x1;
	s3 =	sadd.s32 s4, s19  }
0x9c: {  	s7 =	simm.s32 $0x0;
	s20 =	sshll.u32 s5, $0x1;
	s5 =	sadd.s32 s21, s3  }
0x9d: {  	[timem:s7], [sflag:s22] =	dma.local [hbm:s5], s20  }
0x9e: {  	_ =	swait.ge [sflag:s22], s20  }
0x9f: {  	s4 =	ssub.s32 $0x0, s20;
	[sflag:s22] =	ssyncset.done $0x0  }
0xa0: {  	[sflag:s22] =	ssyncadd.s32 s4;
	_ =	sdelay $0x1  }
0xa1: {  	s23 =	simm.s32 $0x1B8B  }
0xa2: {  	_ =	swait.ge [sflag:s23], $0x1  }
0xa3: {  	[sflag:s23] =	ssyncset.done $0x0  }
0xa4: {  	s25 =	simm.s32 $0x1B8E;
	s24 =	sld [smem:$0x3FFE];
	[sflag:s23] =	ssyncadd.s32 $0xFFFFFFFF  }
0xa5: {  	s26 =	simm.s32 $execute0_lowered;
	[smem:$0x3FD2] =	sst s25  }
0xa6: {  	s5 =	sshll.u32 s26, $0x1;
	_ =	strace $0x80000046;
	[dreg:$0x1] =	wrdreg $0xFFFFFFFF  }
0xa7: {  	s28 =	simm.s32 $_size_execute0_lowered;
	s3 =	sadd.s32 s3, s5;
	[dreg:$0x0] =	wrdreg $0x0  }
0xa8: {  	s5 =	sshll.u32 s28, $0x1;
	[dreg:$0x2] =	wrdreg s3  }
0xa9: {  	[dreg:$0x3] =	wrdreg s5  }
0xaa: {  	[dreg:$0x4] =	wrdreg $0xC0  }
0xab: {  	_ =	task [dreg:s7], $0x5FFFF  }
0xac: {  	[dreg:$0x1] =	wrdreg $0xFFFFFFFF  }
0xad: {  	[dreg:$0x0] =	wrdreg $0x60  }
0xae: {  	[dreg:$0x2] =	wrdreg s24  }
0xaf: {  	[dreg:$0x3] =	wrdreg s2  }
0xb0: {  	[dreg:$0x4] =	wrdreg $0x9  }
0xb1: {  	_ =	task.clear_ibuf [dreg:s7], $0x5FFFF;
	_ =	strace $0x90000046  }
0xb2: {  	s29 =	simm.s32 $0x9;
	_ =	strace $0x80000048  }
0xb3: {  	_ =	swait.ge [sflag:s29], $0x1  }
0xb4: {  	[sflag:s29] =	ssyncadd.s32 $0xFFFFFFFF  }
0xb5: {  	_ =	strace $0x90000048  }
0xb6: {  	_ =	sfence  }
0xb7: {  	s30 =	sld [smem:$0x0];
	_ =	sdelay $0x2  }
0xb8: {  	s31 =	sshll.u32 s1, $0xD;
	s1 =	sshrl.u32 s1, $0x2  }
0xb9: {  	s3 =	sand.u32 $0x4000, s31;
	s1 =	sadd.s32 s1, s30  }
0xba: {  	s0 =	sor.u32 s3, s0;
	s1 =	sshll.u32 s1, $0x11  }
0xbb: {  	s0 =	sor.u32 s1, s0  }
0xbc: {  	s0 =	sadd.s32 $0x8F2B, s0  }
0xbd: {  	[sflag:s0] =	ssyncadd.remote.s32 $0x1  }
0xbe: {  	_ =	sfence.sel $0xFFFF  }
0xbf: {  	[dreg:$0x0] =	wrdreg $0xFFFFFFFF;
	(pc) =	sbr.abs _section_cstart, $3  }
0xc0: {  	[dreg:$0x1] =	wrdreg $0xFFFFFFFF  }
0xc1: {  	_ =	task.clear_ibuf [dreg:s7], $0x2FFFF;
	_ =	strace $0x9FFFFFFF  }
0xc2: {  	(tm) =	ssettm $0x7FFFFFFF  }
0xc3: {  	_ =	shalt  }
tec
execute0_lowered:
.L_overlay_start_1:
0x0: {  	(tag) =	ssettag $0x1  }
0x1: {  	s0 =	rddreg [dreg:$0x0]  }
0x2: {  	s2 =	rddreg [dreg:$0x1];
	s1 =	srdreg.scid  }
0x3: {  	s4 =	stileid.u32;
	s3 =	simm.s32 $0x0;
	s10 =	simm.s32 $0x5  }
0x4: {  	s13 =	simm.s32 $0x80;
	s15 =	simm.s32 $0x4000;
	s16 =	simm.s32 $0x3080  }
0x5: {  	s17 =	simm.s32 $0x8000;
	s18 =	simm.s32 $0x3100;
	s19 =	simm.s32 $0xC000  }
0x6: {  	s20 =	simm.s32 $0x3180;
	s21 =	simm.s32 $0x10000;
	s22 =	simm.s32 $0x1  }
0x7: {  	s23 =	simm.s32 $0x2;
	s24 =	simm.s32 $0x3;
	s25 =	simm.s32 $0x4  }
0x8: {  	s26 =	simm.s32 $0x0;
	s1 =	sand.u32 $0x1, s1;
	s4 =	sshll.u32 s4, $0xD  }
.Ltmp0:
0x9: {  	s5 =	sshll.u32 s1, $0xC;
	s1 =	ssub.s32 $0x2, s1;
	(pc) =	sbr.rel .LBB2_1-.Ltmp0, $4  }
0xa: {  	[smem:$0x7FF] =	sst s3;
	s4 =	sor.u32 s5, s4;
	s7 =	sshrl.u32 s1, $0x1  }
0xb: {  	_ =	strace $0x80000047;
	s6 =	sshrl.u32 s4, $0x3;
	s1 =	ssub.s32 s1, s7  }
0xc: {  	s5 =	sadd.s32 $0x40D000, s0;
	s0 =	sadd.s32 s6, s0;
	s9 =	smax.u32 s1, $0x1  }
0xd: {  	s6 =	sadd.s32 $0x409000, s0;
	s7 =	sadd.s32 $0x405000, s0;
	s8 =	sadd.s32 $0x401000, s0  }
.LBB2_14:
0xe: {  	s26 =	sadd.s32 $0x1, s26  }
0xf: {  	p0 =	sne.s32 s26, s9  }
.Ltmp1:
0x10: {  	_ = 	snop;
	(pc) =	sbr.rel @!p0 .LBB2_15-.Ltmp1, $1  }
0x11: {  	_ =	sdelay $0x3  }
.LBB2_1:
0x12: {  	[tilespmem:s3], [sflag:$0x5] =	stream.linear.gather [hbm4b:s6+s3], $0x1000, $0x38;
	[tilespmem:$0x14000] =	vst v63  }
0x13: {  	_ =	swait.ge [sflag:s10], $0x1000  }
0x14: {  	[sflag:s10] =	ssyncset.done $0x0  }
0x15: {  	s0 =	simm.s32 $0x1000;
	[sflag:s10] =	ssyncadd.s32 $0xFFFFF000  }
0x16: {  	[tilespmem:s0], [sflag:$0x5] =	stream.linear.gather [hbm4b:s7+s3], $0x1000, $0x38;
	[tilespmem:$0x14000] =	vst v63  }
0x17: {  	_ =	swait.ge [sflag:s10], $0x1000  }
0x18: {  	[sflag:s10] =	ssyncset.done $0x0  }
0x19: {  	s31 =	simm.s32 $0x2000;
	[sflag:s10] =	ssyncadd.s32 $0xFFFFF000  }
0x1a: {  	[tilespmem:s31], [sflag:$0x5] =	stream.linear.gather [hbm4b:s8+s3], $0x1000, $0x38;
	[tilespmem:$0x14000] =	vst v63  }
0x1b: {  	_ =	swait.ge [sflag:s10], $0x1000  }
0x1c: {  	[sflag:s10] =	ssyncset.done $0x0  }
0x1d: {  	s28 =	simm.s32 $0x0;
	[sflag:s10] =	ssyncadd.s32 $0xFFFFF000  }
0x1e: {  	v0 =	vld [tilespmem:s28+$0x0]  }
0x1f: {  	v1 =	vld [tilespmem:s28+$0x1000];
	_ =	sdelay $0x1  }
0x20: {  	v2 =	vld [tilespmem:s28+$0x2000];
	_ =	sdelay $0x1  }
0x21: {  	s29 =	simm.s32 $0x10;
	v0 =	vtrunc.f32 v0  }
0x22: {  	v1 =	vtrunc.f32 v1;
	v3 =	vcvt.f32.s32 v0;
	v0 =	vld [tilespmem:s29+$0x0]  }
0x23: {  	v4 =	vcvt.f32.s32 v1;
	v1 =	vld [tilespmem:s29+$0x1000]  }
0x24: {  	v5 =	vtrunc.f32 v2  }
0x25: {  	v2 =	vld [tilespmem:s29+$0x2000];
	v6 =	vshll.u32 v3, $0xC;
	v4 =	vshll.u32 v4, $0x6;
	v3 =	vcvt.f32.s32 v5  }
0x26: {  	s30 =	simm.s32 $0x80;
	v4 =	vadd.s32 v6, v4  }
.LBB2_2:
0x27: {  	s0 =	sshra.s32 s30, $0x2;
	v3 =	vadd.s32 v3, v4;
	p0 =	sne.s32 s30, $0x3FC0  }
.Ltmp2:
0x28: {  	s30 =	sadd.s32 $0x40, s30;
	v4 =	vtrunc.f32 v0;
	v0 =	vld [tilespmem:s0+$0x0];
	v5 =	vtrunc.f32 v1;
	[tilespmem:s28+$0x3000] =	vst v3;
	(pc) =	sbr.rel @p0 .LBB2_2-.Ltmp2, $4  }
0x29: {  	v4 =	vcvt.f32.s32 v4;
	s28 =	smov.u32 s29;
	s29 =	smov.u32 s0;
	v1 =	vld [tilespmem:s0+$0x1000];
	v5 =	vcvt.f32.s32 v5  }
0x2a: {  	v3 =	vtrunc.f32 v2  }
0x2b: {  	v4 =	vshll.u32 v4, $0xC;
	v2 =	vld [tilespmem:s29+$0x2000];
	v3 =	vcvt.f32.s32 v3;
	v5 =	vshll.u32 v5, $0x6  }
0x2c: {  	v4 =	vadd.s32 v4, v5  }
0x2d: {  	_ = 	snop  }
0x2e: {  	v0 =	vtrunc.f32 v0;
	v1 =	vtrunc.f32 v1  }
0x2f: {  	v0 =	vcvt.f32.s32 v0;
	v1 =	vcvt.f32.s32 v1  }
0x30: {  	v2 =	vtrunc.f32 v2  }
0x31: {  	v0 =	vshll.u32 v0, $0xC;
	v2 =	vcvt.f32.s32 v2;
	v1 =	vshll.u32 v1, $0x6  }
0x32: {  	v3 =	vadd.s32 v3, v4;
	v0 =	vadd.s32 v0, v1  }
0x33: {  	[tilespmem:s28+$0x3000] =	vst v3;
	v0 =	vadd.s32 v2, v0  }
0x34: {  	s0 =	simm.s32 $0x3000;
	[tilespmem:s29+$0x3000] =	vst v0  }
0x35: {  	[tilespmem:s15], [sflag:$0x1] =	stream.indirect.gather [hbm4b:s5+s13], $0x80, s0, s13, $0xb8;
	[tilespmem:$0x14000] =	vst v63  }
0x36: {  	_ = 	snop  }
0x37: {  	[tilespmem:s17], [sflag:$0x2] =	stream.indirect.gather [hbm4b:s5+s13], $0x80, s16, s13, $0xb8;
	[tilespmem:$0x14000] =	vst v63  }
0x38: {  	_ = 	snop  }
0x39: {  	[tilespmem:s19], [sflag:$0x3] =	stream.indirect.gather [hbm4b:s5+s13], $0x80, s18, s13, $0xb8;
	[tilespmem:$0x14000] =	vst v63  }
0x3a: {  	s28 =	simm.s32 $0x0  }
0x3b: {  	[tilespmem:s21], [sflag:$0x4] =	stream.indirect.gather [hbm4b:s5+s13], $0x80, s20, s13, $0xb8;
	[tilespmem:$0x14000] =	vst v63  }
.LBB2_4:
0x3c: {  	s31 =	sshll.u32 s28, $0x9  }
0x3d: {  	s0 =	sadd.s32 s4, s31  }
0x3e: {  	s0 =	smul.u32 $0x3, s0  }
0x3f: {  	_ =	swait.ge [sflag:s22], $0x4000;
	s1 =	simm.s32 $0x3  }
0x40: {  	s11 =	simm.s32 $0x4080;
	[sflag:s22] =	ssyncset.done $0x0;
	s29 =	sadd.s32 s2, s0  }
0x41: {  	[sflag:s22] =	ssyncadd.s32 $0xFFFFC000;
	s0 =	simm.s32 $0x4000;
	s12 =	sadd.s32 $0x0, s29  }
.LBB2_5:
0x42: {  	[hbm4b:s12+s3] =	stream.linear.scatter [tilespmem:s0], [sflag:$0x5], $0x18, $0x38;
	[tilespmem:$0x14000] =	vst v63  }
0x43: {  	s12 =	smov.u32 s1;
	s0 =	smov.u32 s11;
	p0 =	sne.s32 s1, $0x17D  }
.Ltmp3:
0x44: {  	s1 =	sadd.s32 $0x3, s1;
	(pc) =	sbr.rel @p0 .LBB2_5-.Ltmp3, $2  }
0x45: {  	_ =	sdelay $0x2  }
0x46: {  	s11 =	sadd.s32 $0x80, s11;
	s12 =	sadd.s32 s12, s29  }
0x47: {  	[hbm4b:s12+s3] =	stream.linear.scatter [tilespmem:s0], [sflag:$0x5], $0x18, $0x38;
	[tilespmem:$0x14000] =	vst v63  }
0x48: {  	s29 =	sshll.u32 s28, $0xB  }
0x49: {  	p0 =	seq.s32 s28, $0x7;
	s14 =	sadd.s32 s31, s4;
	_ =	swait.ge [sflag:s10], $0xC00  }
0x4a: {  	s30 =	sshrl.u32 @!p0 s29, $0x2;
	s1 =	simm.s32 @!p0 $0x80;
	[sflag:s10] =	ssyncset.done $0x0  }
0x4b: {  	s11 =	simm.s32 @!p0 $0x4000;
	s0 =	sadd.s32 @!p0 $0x3200, s30;
	[sflag:s10] =	ssyncadd.s32 $0xFFFFF400  }
0x4c: {  	[tilespmem:s11], [sflag:$0x1] =	stream.indirect.gather @!p0 [hbm4b:s5+s1], $0x80, s0, s1, $0xb8;
	[tilespmem:$0x14000] =	vst v63  }
0x4d: {  	s0 =	smul.u32 $0x3, s14;
	_ =	sdelay $0x1  }
0x4e: {  	s12 =	simm.s32 $0x8080;
	_ =	swait.ge [sflag:s23], $0x4000;
	s31 =	sadd.s32 s2, s0  }
0x4f: {  	s1 =	simm.s32 $0x8000;
	[sflag:s23] =	ssyncset.done $0x0;
	s0 =	sadd.s32 $0x180, s31  }
0x50: {  	s11 =	simm.s32 $0x3;
	[sflag:s23] =	ssyncadd.s32 $0xFFFFC000;
	s14 =	sadd.s32 $0x0, s0  }
.LBB2_7:
0x51: {  	[hbm4b:s14+s3] =	stream.linear.scatter [tilespmem:s1], [sflag:$0x5], $0x18, $0x38;
	[tilespmem:$0x14000] =	vst v63  }
0x52: {  	s14 =	smov.u32 s11;
	s1 =	smov.u32 s12;
	p1 =	sne.s32 s11, $0x17D  }
.Ltmp4:
0x53: {  	s11 =	sadd.s32 $0x3, s11;
	(pc) =	sbr.rel @p1 .LBB2_7-.Ltmp4, $2  }
0x54: {  	_ =	sdelay $0x2  }
0x55: {  	s12 =	sadd.s32 $0x80, s12;
	s14 =	sadd.s32 s14, s0  }
0x56: {  	[hbm4b:s14+s3] =	stream.linear.scatter [tilespmem:s1], [sflag:$0x5], $0x18, $0x38;
	[tilespmem:$0x14000] =	vst v63  }
0x57: {  	_ =	swait.ge [sflag:s10], $0xC00  }
0x58: {  	s0 =	sadd.s32 @!p0 $0x3280, s30;
	[sflag:s10] =	ssyncset.done $0x0  }
0x59: {  	s1 =	simm.s32 @!p0 $0x80;
	s11 =	simm.s32 @!p0 $0x8000;
	[sflag:s10] =	ssyncadd.s32 $0xFFFFF400  }
0x5a: {  	[tilespmem:s11], [sflag:$0x2] =	stream.indirect.gather @!p0 [hbm4b:s5+s1], $0x80, s0, s1, $0xb8;
	[tilespmem:$0x14000] =	vst v63  }
0x5b: {  	s12 =	simm.s32 $0xC080;
	_ =	swait.ge [sflag:s24], $0x4000  }
0x5c: {  	s0 =	sadd.s32 $0x300, s31;
	s1 =	simm.s32 $0xC000;
	[sflag:s24] =	ssyncset.done $0x0  }
0x5d: {  	s11 =	simm.s32 $0x3;
	s14 =	sadd.s32 $0x0, s0;
	[sflag:s24] =	ssyncadd.s32 $0xFFFFC000  }
.LBB2_9:
0x5e: {  	[hbm4b:s14+s3] =	stream.linear.scatter [tilespmem:s1], [sflag:$0x5], $0x18, $0x38;
	[tilespmem:$0x14000] =	vst v63  }
0x5f: {  	s14 =	smov.u32 s11;
	s1 =	smov.u32 s12;
	p1 =	sne.s32 s11, $0x17D  }
.Ltmp5:
0x60: {  	s11 =	sadd.s32 $0x3, s11;
	(pc) =	sbr.rel @p1 .LBB2_9-.Ltmp5, $2  }
0x61: {  	_ =	sdelay $0x2  }
0x62: {  	s12 =	sadd.s32 $0x80, s12;
	s14 =	sadd.s32 s14, s0  }
0x63: {  	[hbm4b:s14+s3] =	stream.linear.scatter [tilespmem:s1], [sflag:$0x5], $0x18, $0x38;
	[tilespmem:$0x14000] =	vst v63  }
0x64: {  	_ =	swait.ge [sflag:s10], $0xC00  }
0x65: {  	s0 =	sadd.s32 @!p0 $0x3300, s30;
	[sflag:s10] =	ssyncset.done $0x0  }
0x66: {  	s1 =	simm.s32 @!p0 $0x80;
	s11 =	simm.s32 @!p0 $0xC000;
	[sflag:s10] =	ssyncadd.s32 $0xFFFFF400  }
0x67: {  	[tilespmem:s11], [sflag:$0x3] =	stream.indirect.gather @!p0 [hbm4b:s5+s1], $0x80, s0, s1, $0xb8;
	[tilespmem:$0x14000] =	vst v63  }
0x68: {  	s12 =	simm.s32 $0x10080;
	_ =	swait.ge [sflag:s25], $0x4000  }
0x69: {  	s0 =	sadd.s32 $0x480, s31;
	s1 =	simm.s32 $0x10000;
	[sflag:s25] =	ssyncset.done $0x0  }
0x6a: {  	s11 =	simm.s32 $0x3;
	s14 =	sadd.s32 $0x0, s0;
	[sflag:s25] =	ssyncadd.s32 $0xFFFFC000  }
.LBB2_11:
0x6b: {  	[hbm4b:s14+s3] =	stream.linear.scatter [tilespmem:s1], [sflag:$0x5], $0x18, $0x38;
	[tilespmem:$0x14000] =	vst v63  }
0x6c: {  	s14 =	smov.u32 s11;
	s1 =	smov.u32 s12;
	p1 =	sne.s32 s11, $0x17D  }
.Ltmp6:
0x6d: {  	s11 =	sadd.s32 $0x3, s11;
	(pc) =	sbr.rel @p1 .LBB2_11-.Ltmp6, $2  }
0x6e: {  	_ =	sdelay $0x2  }
0x6f: {  	s12 =	sadd.s32 $0x80, s12;
	s14 =	sadd.s32 s14, s0  }
.Ltmp7:
0x70: {  	(pc) =	sbr.rel @p0 .LBB2_14-.Ltmp7, $4  }
0x71: {  	[hbm4b:s14+s3] =	stream.linear.scatter [tilespmem:s1], [sflag:$0x5], $0x18, $0x38;
	[tilespmem:$0x14000] =	vst v63  }
0x72: {  	_ =	swait.ge [sflag:s10], $0xC00  }
0x73: {  	[sflag:s10] =	ssyncset.done $0x0  }
0x74: {  	[sflag:s10] =	ssyncadd.s32 $0xFFFFF400  }
.Ltmp8:
0x75: {  	(pc) =	sbr.rel .LBB2_4-.Ltmp8, $4  }
0x76: {  	_ = 	snop  }
0x77: {  	s0 =	sshrl.u32 s29, $0x2  }
0x78: {  	s28 =	sadd.s32 $0x1, s28;
	s0 =	sadd.s32 $0x3380, s0  }
0x79: {  	[tilespmem:s21], [sflag:$0x4] =	stream.indirect.gather [hbm4b:s5+s13], $0x80, s0, s13, $0xb8;
	[tilespmem:$0x14000] =	vst v63  }
.LBB2_15:
0x7a: {  	_ =	sfence.sel $0x180000  }
0x7b: {  	[bflag:$0x0] =	sbarrier.arrive $0xFFFF  }
0x7c: {  	_ =	strace $0x90000047  }
0x7d: {  	s0 =	stileid.u32;
	[bflag:$0x2] =	sbarrier.arrive $0xFFFF  }
0x7e: {  	p0 =	sne.s32 s0, $0x0;
	s0 =	rddreg [dreg:$0x2]  }
0x7f: {  	s0 =	sadd.s32 @!p0 $0x100000, s0  }
0x80: {  	[sflag:s0] =	ssyncadd.tile.s32 @!p0 $0x1;
	_ =	shalt  }
.Lfunc_end2:
_tile_overlayer_lowered:
.L_overlay_start_2:
0x81: {  	(tag) =	ssettag $0x2  }
0x82: {  	s0 =	rddreg [dreg:$0x0];
	s2 =	stileid.u32  }
0x83: {  	s1 =	rddreg [dreg:$0x1];
	p0 =	sne.s32 s2, $0x0  }
0x84: {  	s3 =	rddreg [dreg:$0x2];
	[bflag:$0x3] =	sbarrier.arrive $0xFFFF;
	s2 =	simm.s32 @!p0 $0x1C05  }
0x85: {  	[timem:s3], [sflag:s2] =	dma.local @!p0 [hbm:s0], s1  }
0x86: {  	s0 =	simm.s32 @!p0 $0x5  }
0x87: {  	_ =	swait.ge @!p0 [sflag:s0], s1  }
0x88: {  	s1 =	ssub.s32 @!p0 $0x0, s1;
	[sflag:s0] =	ssyncset.done @!p0 $0x0  }
0x89: {  	[sflag:s0] =	ssyncadd.s32 @!p0 s1  }
0x8a: {  	[bflag:$0x3] =	sbarrier.arrive $0xFFFF  }
0x8b: {  	_ =	shalt  }

</sc_bundles>
